<compile_context>
chip_gen: v7x
topology: tpu7x:2x2x1
jax: 0.10.2.dev20260603
libtpu: 0.0.44.dev20260713+nightly
codegen_flags: <defaults>
</compile_context>

<pallas_src>
import jax
import jax.numpy as jnp
from jax import lax
from jax.experimental import pallas as pl
from jax.experimental.pallas import tpu as pltpu
from jax.experimental.pallas import tpu_sc as plsc

VOCAB1 = 1000001
HIDDEN = 64
BATCH = 4096
SEQ = 200
NTOK = BATCH * SEQ
NC, NS = 2, 16
NW = NC * NS
EPW = BATCH // NW
TPW = EPW * SEQ

CH = 8192
QC = CH // 4
NCH = -(-VOCAB1 // CH)
VPAD = NCH * CH



def _tc_transform_body(tt_ref, w4_ref, b_ref, out_ref):
    x = tt_ref[...].astype(jnp.bfloat16)
    x4 = jnp.concatenate([x[:, i * QC : (i + 1) * QC] for i in range(4)],
                         axis=0)
    y4 = lax.dot_general(
        x4,
        w4_ref[...],
        dimension_numbers=(((0,), (1,)), ((), ())),
        preferred_element_type=jnp.float32,
    )
    y4 = y4 + b_ref[...]
    lo = y4[:, :128]
    hi = y4[:, 128:]
    lo16 = lax.bitcast_convert_type(lo.astype(jnp.bfloat16), jnp.uint16)
    hi16 = lax.bitcast_convert_type(hi.astype(jnp.bfloat16), jnp.uint16)
    w32 = lo16.astype(jnp.uint32) | (hi16.astype(jnp.uint32) << 16)
    out_ref[...] = lax.bitcast_convert_type(w32, jnp.float32)


def _tc_transform(tableT, W4, b2):
    return pl.pallas_call(
        _tc_transform_body,
        grid=(NCH,),
        in_specs=[
            pl.BlockSpec((HIDDEN, CH), lambda i: (0, i)),
            pl.BlockSpec((4 * HIDDEN, 4 * HIDDEN), lambda i: (0, 0)),
            pl.BlockSpec((1, 4 * HIDDEN), lambda i: (0, 0)),
        ],
        out_specs=pl.BlockSpec((QC, 2 * HIDDEN), lambda i: (i, 0)),
        out_shape=jax.ShapeDtypeStruct((VPAD // 4, 2 * HIDDEN), jnp.float32),
    )(tableT, W4, b2)



_sc_mesh = plsc.VectorSubcoreMesh(core_axis_name="c", subcore_axis_name="s")
_G0 = 128
_G1 = SEQ - _G0


def _fire(t2_hbm, idx_v, rows_v, base, slot, sem):
    c0 = pltpu.async_copy(
        t2_hbm.at[idx_v.at[pl.ds(base, _G0)]],
        rows_v.at[slot, pl.ds(0, _G0)],
        sem,
    )
    c1 = pltpu.async_copy(
        t2_hbm.at[idx_v.at[pl.ds(base + _G0, _G1)]],
        rows_v.at[slot, pl.ds(_G0, _G1)],
        sem,
    )
    return c0, c1


def _wait_slot(t2_hbm, idx_v, rows_v, slot, sem):
    pltpu.make_async_copy(
        t2_hbm.at[idx_v.at[pl.ds(0, _G0)]],
        rows_v.at[slot, pl.ds(0, _G0)],
        sem,
    ).wait()
    pltpu.make_async_copy(
        t2_hbm.at[idx_v.at[pl.ds(0, _G1)]],
        rows_v.at[slot, pl.ds(_G0, _G1)],
        sem,
    ).wait()


def _row(rows_v, slot, r, q):
    return plsc.bitcast(rows_v[slot, r, pl.ds(16 * q, 16)], jnp.bfloat16)


def _pool_one(rows_v, slot, outbuf_v, e):
    def body(i, acc):
        r = 8 + i * 8
        for u in range(8):
            acc = tuple(
                jnp.maximum(acc[q], _row(rows_v, slot, r + u, q))
                for q in range(2)
            )
        return acc

    acc0 = tuple(_row(rows_v, slot, 0, q) for q in range(2))
    for u in range(1, 8):
        acc0 = tuple(
            jnp.maximum(acc0[q], _row(rows_v, slot, u, q)) for q in range(2)
        )
    acc = lax.fori_loop(0, (SEQ - 8) // 8, body, acc0)
    a0, b0 = plsc.unpack(acc[0], format=plsc.PackFormat.INTERLEAVED)
    a1, b1 = plsc.unpack(acc[1], format=plsc.PackFormat.INTERLEAVED)
    outbuf_v[e, pl.ds(0, 16)] = a0
    outbuf_v[e, pl.ds(16, 16)] = a1
    outbuf_v[e, pl.ds(32, 16)] = b0
    outbuf_v[e, pl.ds(48, 16)] = b1


def _sc_pool_body(tok_hbm, t2_hbm, out_hbm, idx_v, rows_v, outbuf_v,
                  sem_a, sem_b):
    wid = lax.axis_index("s") * NC + lax.axis_index("c")
    tb = wid * TPW
    pltpu.sync_copy(tok_hbm.at[pl.ds(tb, TPW)], idx_v)

    qshift = QC.bit_length() - 1

    def remap(i, carry):
        vv = idx_v[pl.ds(i * 16, 16)]
        r = vv & (CH - 1)
        rr = r & (QC - 1)
        q = r >> qshift
        idx_v[pl.ds(i * 16, 16)] = (vv - r) + (rr << 2) + q
        return carry

    lax.fori_loop(0, TPW // 16, remap, 0)

    _fire(t2_hbm, idx_v, rows_v, 0, 0, sem_a)

    def pair(ep, carry):
        e_a = 2 * ep
        cb = _fire(t2_hbm, idx_v, rows_v, (e_a + 1) * SEQ, 1, sem_b)
        _wait_slot(t2_hbm, idx_v, rows_v, 0, sem_a)
        _pool_one(rows_v, 0, outbuf_v, e_a)

        @pl.when(ep + 1 < EPW // 2)
        def _():
            _fire(t2_hbm, idx_v, rows_v, (e_a + 2) * SEQ, 0, sem_a)

        for cp in cb:
            cp.wait()
        _pool_one(rows_v, 1, outbuf_v, e_a + 1)
        return carry

    lax.fori_loop(0, EPW // 2, pair, 0)
    pltpu.sync_copy(outbuf_v, out_hbm.at[pl.ds(wid * EPW, EPW)])


_sc_pool = pl.kernel(
    _sc_pool_body,
    out_type=jax.ShapeDtypeStruct((BATCH, HIDDEN), jnp.float32),
    mesh=_sc_mesh,
    scratch_types=[
        pltpu.VMEM((TPW,), jnp.int32),
        pltpu.VMEM((2, SEQ, HIDDEN // 2), jnp.float32),
        pltpu.VMEM((EPW, HIDDEN), jnp.float32),
        pltpu.SemaphoreType.DMA,
        pltpu.SemaphoreType.DMA,
    ],
    compiler_params=pltpu.CompilerParams(
        use_tc_tiling_on_sc=False, needs_layout_passes=False
    ),
)


def kernel(token_ids, table, W, b):
    tok = token_ids.astype(jnp.int32).reshape(NTOK)
    wt = W.astype(jnp.bfloat16)
    zb = jnp.zeros((HIDDEN, HIDDEN), dtype=jnp.bfloat16)
    W4 = jnp.block([
        [wt, zb, zb, zb],
        [zb, wt, zb, zb],
        [zb, zb, wt, zb],
        [zb, zb, zb, wt],
    ])
    W4p = jnp.concatenate(
        [W4[q * HIDDEN : q * HIDDEN + 32, :] for q in range(4)]
        + [W4[q * HIDDEN + 32 : (q + 1) * HIDDEN, :] for q in range(4)],
        axis=0,
    )
    b4 = jnp.concatenate([b[:32]] * 4 + [b[32:]] * 4).reshape(1, 4 * HIDDEN)
    t2p = _tc_transform(table.T, W4p, b4)
    t2 = t2p.reshape(VPAD, HIDDEN // 2)
    return _sc_pool(tok, t2)

# --- scband reference (transcript-rebuilt; emitter-appended) ---
"""Pipeline reference for scband-sentence-encoder-module-51505247813698 (READ-ONLY COPY).

The authoritative reference and input builder live on the scoring server;
editing this copy changes nothing except your own understanding.
"""

import jax, jax.numpy as jnp
import numpy as np

VOCAB = 1000000
HIDDEN = 64
BATCH = 4096
SEQ = 200

def setup_inputs(seed: int = 0) -> dict:
    key = jax.random.key(seed)
    k1, k2, k3 = jax.random.split(key, 3)
    token_ids = jax.random.randint(k1, (BATCH, SEQ), 0, VOCAB + 1)
    # nn.Embedding(vocab+1, hidden, padding_idx=0): row 0 is zero
    table = jax.random.normal(k2, (VOCAB + 1, HIDDEN), dtype=jnp.float32) * 0.02
    table = table.at[0].set(0.0)
    # nn.Linear(hidden, hidden): weight [out, in], bias [out]
    W = jax.random.normal(k3, (HIDDEN, HIDDEN), dtype=jnp.float32) * 0.05
    b = jnp.zeros((HIDDEN,), dtype=jnp.float32)
    return {"token_ids": token_ids, "table": table, "W": W, "b": b}

def reference(token_ids, table, W, b):
    # embedding lookup (gather)
    embedded = jnp.take(table, token_ids, axis=0)          # [B, L, D]
    # linear transform
    transformed = embedded @ W.T + b                        # [B, L, D]
    # dropout is identity in eval mode
    # max_pool1d over the full sequence length == max over axis=1, then squeeze
    pooled = jnp.max(transformed, axis=1)                   # [B, D]
    return pooled

if __name__ == "__main__":
    import jax
    _d = setup_inputs()
    print(jax.jit(kernel)(*tuple(_d.values())))

</pallas_src>

<mosaic_0001>
#map = affine_map<(d0, d1) -> (0)>
#map1 = affine_map<(d0, d1) -> (0, 0)>
module attributes {stable_mosaic.version = 14 : i64} {
  func.func @_sc_pool_body(%arg0: i32, %arg1: i32, %arg2: memref<819200xi32, #tpu.memory_space<hbm>>, %arg3: memref<1007616x32xf32, #tpu.memory_space<hbm>>, %arg4: memref<4096x64xf32, #tpu.memory_space<hbm>>, %arg5: memref<25600xi32, #tpu.memory_space<vmem>>, %arg6: memref<2x200x32xf32, #tpu.memory_space<vmem>>, %arg7: memref<128x64xf32, #tpu.memory_space<vmem>>, %arg8: memref<!tpu.dma_semaphore, #tpu.memory_space<semaphore_mem>>, %arg9: memref<!tpu.dma_semaphore, #tpu.memory_space<semaphore_mem>>) attributes {dimension_semantics = [#tpu.dimension_semantics<core_parallel>, #tpu.dimension_semantics<subcore_parallel>], iteration_bounds = array<i64: 2, 16>, scalar_prefetch = 0 : i64, scratch_operands = 5 : i64, tpu.core_type = #tpu.core_type<sc_vector_subcore>, window_params = [{transform_indices = #map}, {transform_indices = #map1}, {transform_indices = #map1}]} {
    %mul3A = arith.constant 2 : i32
    %mul3A_0 = arith.muli %arg1, %mul3A : i32
    %add3A = arith.addi %mul3A_0, %arg0 : i32
    %mul3A_1 = arith.constant 25600 : i32
    %mul3A_2 = arith.muli %add3A, %mul3A_1 : i32
    "tpu.region"() ({
      %run_scoped3A = tpu.sem_alloc : memref<!tpu.dma_semaphore, #tpu.memory_space<semaphore_mem>>
      %dma_start3A_35 = tpu.memref_slice %arg2[%mul3A_2] : memref<819200xi32, #tpu.memory_space<hbm>> -> memref<25600xi32, #tpu.memory_space<hbm>>
      %dma_start3A_36 = tpu.memref_slice %arg2[%mul3A_2] : memref<819200xi32, #tpu.memory_space<hbm>> -> memref<25600xi32, #tpu.memory_space<hbm>>
      tpu.enqueue_dma source(%dma_start3A_36 : memref<25600xi32, #tpu.memory_space<hbm>>) target(%arg5 : memref<25600xi32, #tpu.memory_space<vmem>>) target_semaphore(%run_scoped3A : memref<!tpu.dma_semaphore, #tpu.memory_space<semaphore_mem>>)
      %dma_wait3A = tpu.memref_slice %arg2[%mul3A_2] : memref<819200xi32, #tpu.memory_space<hbm>> -> memref<25600xi32, #tpu.memory_space<hbm>>
      %dma_wait3A_37 = tpu.memref_slice %arg2[%mul3A_2] : memref<819200xi32, #tpu.memory_space<hbm>> -> memref<25600xi32, #tpu.memory_space<hbm>>
      tpu.wait_dma2 semaphore(%run_scoped3A : memref<!tpu.dma_semaphore, #tpu.memory_space<semaphore_mem>>) src(%dma_wait3A_37 : memref<25600xi32, #tpu.memory_space<hbm>>) dst(%arg5 : memref<25600xi32, #tpu.memory_space<vmem>>)
      tpu.yield
    }) : () -> ()
    %scan3A = arith.constant 0 : i32
    %scan3A_3 = arith.constant 0 : i32
    %scan3A_4 = arith.constant 1600 : i32
    %scan3A_5 = arith.addi %scan3A_3, %scan3A_4 : i32
    %scan3A_6 = arith.constant 1 : i32
    scf.for %scan3A_35 = %scan3A_3 to %scan3A_5 step %scan3A_6  : i32 {
      %mul3A_36 = arith.constant 16 : i32
      %mul3A_37 = arith.muli %scan3A_35, %mul3A_36 : i32
      %get3A = arith.index_cast %mul3A_37 : i32 to index
      %get3A_38 = tpu.vector_load %arg5[%get3A] {strides = array<i32>} : memref<25600xi32, #tpu.memory_space<vmem>>, vector<16xi32>,
      %and3A = arith.constant 8191 : i32
      %and3A_39 = vector.broadcast %and3A : i32 to vector<16xi32>
      %and3A_40 = arith.andi %get3A_38, %and3A_39 : vector<16xi32>
      %and3A_41 = arith.constant 2047 : i32
      %and3A_42 = vector.broadcast %and3A_41 : i32 to vector<16xi32>
      %and3A_43 = arith.andi %and3A_40, %and3A_42 : vector<16xi32>
      %shift_right_arithmetic3A = arith.constant 11 : i32
      %shift_right_arithmetic3A_44 = vector.broadcast %shift_right_arithmetic3A : i32 to vector<16xi32>
      %shift_right_arithmetic3A_45 = arith.shrsi %and3A_40, %shift_right_arithmetic3A_44 : vector<16xi32>
      %sub3A = arith.subi %get3A_38, %and3A_40 : vector<16xi32>
      %shift_left3A = arith.constant 2 : i32
      %shift_left3A_46 = vector.broadcast %shift_left3A : i32 to vector<16xi32>
      %shift_left3A_47 = arith.shli %and3A_43, %shift_left3A_46 : vector<16xi32>
      %add3A_48 = arith.addi %sub3A, %shift_left3A_47 : vector<16xi32>
      %add3A_49 = arith.addi %add3A_48, %shift_right_arithmetic3A_45 : vector<16xi32>
      %mul3A_50 = arith.constant 16 : i32
      %mul3A_51 = arith.muli %scan3A_35, %mul3A_50 : i32
      %swap3A = arith.index_cast %mul3A_51 : i32 to index
      %swap3A_52 = tpu.vector_load %arg5[%swap3A] {strides = array<i32>} : memref<25600xi32, #tpu.memory_space<vmem>>, vector<16xi32>,
      tpu.vector_store %arg5[%swap3A], %add3A_49 {strides = array<i32>} : memref<25600xi32, #tpu.memory_space<vmem>>, vector<16xi32>,
    }
    %scan3A_7 = arith.constant 1600 : i32
    %dma_start3A = arith.constant 0 : i32
    %dma_start3A_8 = arith.constant 0 : i32
    %dma_start3A_9 = arith.constant 0 : i32
    %dma_start3A_10 = tpu.memref_slice %arg6[%dma_start3A, %dma_start3A_8, %dma_start3A_9] : memref<2x200x32xf32, #tpu.memory_space<vmem>> -> memref<1x128x32xf32, #tpu.memory_space<vmem>>
    %dma_start3A_11 = tpu.memref_squeeze %dma_start3A_10 : memref<1x128x32xf32, #tpu.memory_space<vmem>> -> memref<128x32xf32, #tpu.memory_space<vmem>>
    %dma_start3A_12 = arith.constant 0 : i32
    %dma_start3A_13 = tpu.memref_slice %arg5[%dma_start3A_12] : memref<25600xi32, #tpu.memory_space<vmem>> -> memref<128xi32, #tpu.memory_space<vmem>>
    %dma_start3A_14 = arith.constant 0 : i32
    %dma_start3A_15 = arith.constant 0 : i32
    %dma_start3A_16 = tpu.memref_slice %arg3[%dma_start3A_14, %dma_start3A_15] : memref<1007616x32xf32, #tpu.memory_space<hbm>> -> memref<1007616x32xf32, #tpu.memory_space<hbm>>
    tpu.enqueue_indirect_dma source(%dma_start3A_16 : memref<1007616x32xf32, #tpu.memory_space<hbm>>) target(%dma_start3A_11 : memref<128x32xf32, #tpu.memory_space<vmem>>) offsets(%dma_start3A_13 : memref<128xi32, #tpu.memory_space<vmem>>) semaphore(%arg8 : memref<!tpu.dma_semaphore, #tpu.memory_space<semaphore_mem>>)
    %dma_start3A_17 = arith.constant 0 : i32
    %dma_start3A_18 = arith.constant 128 : i32
    %dma_start3A_19 = arith.constant 0 : i32
    %dma_start3A_20 = tpu.memref_slice %arg6[%dma_start3A_17, %dma_start3A_18, %dma_start3A_19] : memref<2x200x32xf32, #tpu.memory_space<vmem>> -> memref<1x72x32xf32, #tpu.memory_space<vmem>>
    %dma_start3A_21 = tpu.memref_squeeze %dma_start3A_20 : memref<1x72x32xf32, #tpu.memory_space<vmem>> -> memref<72x32xf32, #tpu.memory_space<vmem>>
    %dma_start3A_22 = arith.constant 128 : i32
    %dma_start3A_23 = tpu.memref_slice %arg5[%dma_start3A_22] : memref<25600xi32, #tpu.memory_space<vmem>> -> memref<72xi32, #tpu.memory_space<vmem>>
    %dma_start3A_24 = arith.constant 0 : i32
    %dma_start3A_25 = arith.constant 0 : i32
    %dma_start3A_26 = tpu.memref_slice %arg3[%dma_start3A_24, %dma_start3A_25] : memref<1007616x32xf32, #tpu.memory_space<hbm>> -> memref<1007616x32xf32, #tpu.memory_space<hbm>>
    tpu.enqueue_indirect_dma source(%dma_start3A_26 : memref<1007616x32xf32, #tpu.memory_space<hbm>>) target(%dma_start3A_21 : memref<72x32xf32, #tpu.memory_space<vmem>>) offsets(%dma_start3A_23 : memref<72xi32, #tpu.memory_space<vmem>>) semaphore(%arg8 : memref<!tpu.dma_semaphore, #tpu.memory_space<semaphore_mem>>)
    %scan3A_27 = arith.constant 0 : i32
    %scan3A_28 = arith.constant 0 : i32
    %scan3A_29 = arith.constant 64 : i32
    %scan3A_30 = arith.addi %scan3A_28, %scan3A_29 : i32
    %scan3A_31 = arith.constant 1 : i32
    scf.for %scan3A_35 = %scan3A_28 to %scan3A_30 step %scan3A_31  : i32 {
      %mul3A_36 = arith.constant 2 : i32
      %mul3A_37 = arith.muli %mul3A_36, %scan3A_35 : i32
      %add3A_38 = arith.constant 1 : i32
      %add3A_39 = arith.addi %mul3A_37, %add3A_38 : i32
      %mul3A_40 = arith.constant 200 : i32
      %mul3A_41 = arith.muli %add3A_39, %mul3A_40 : i32
      %dma_start3A_42 = arith.constant 1 : i32
      %dma_start3A_43 = arith.constant 0 : i32
      %dma_start3A_44 = arith.constant 0 : i32
      %dma_start3A_45 = tpu.memref_slice %arg6[%dma_start3A_42, %dma_start3A_43, %dma_start3A_44] : memref<2x200x32xf32, #tpu.memory_space<vmem>> -> memref<1x128x32xf32, #tpu.memory_space<vmem>>
      %dma_start3A_46 = tpu.memref_squeeze %dma_start3A_45 : memref<1x128x32xf32, #tpu.memory_space<vmem>> -> memref<128x32xf32, #tpu.memory_space<vmem>>
      %dma_start3A_47 = tpu.memref_slice %arg5[%mul3A_41] : memref<25600xi32, #tpu.memory_space<vmem>> -> memref<128xi32, #tpu.memory_space<vmem>>
      %dma_start3A_48 = arith.constant 0 : i32
      %dma_start3A_49 = arith.constant 0 : i32
      %dma_start3A_50 = tpu.memref_slice %arg3[%dma_start3A_48, %dma_start3A_49] : memref<1007616x32xf32, #tpu.memory_space<hbm>> -> memref<1007616x32xf32, #tpu.memory_space<hbm>>
      tpu.enqueue_indirect_dma source(%dma_start3A_50 : memref<1007616x32xf32, #tpu.memory_space<hbm>>) target(%dma_start3A_46 : memref<128x32xf32, #tpu.memory_space<vmem>>) offsets(%dma_start3A_47 : memref<128xi32, #tpu.memory_space<vmem>>) semaphore(%arg9 : memref<!tpu.dma_semaphore, #tpu.memory_space<semaphore_mem>>)
      %add3A_51 = arith.constant 128 : i32
      %add3A_52 = arith.addi %mul3A_41, %add3A_51 : i32
      %dma_start3A_53 = arith.constant 1 : i32
      %dma_start3A_54 = arith.constant 128 : i32
      %dma_start3A_55 = arith.constant 0 : i32
      %dma_start3A_56 = tpu.memref_slice %arg6[%dma_start3A_53, %dma_start3A_54, %dma_start3A_55] : memref<2x200x32xf32, #tpu.memory_space<vmem>> -> memref<1x72x32xf32, #tpu.memory_space<vmem>>
      %dma_start3A_57 = tpu.memref_squeeze %dma_start3A_56 : memref<1x72x32xf32, #tpu.memory_space<vmem>> -> memref<72x32xf32, #tpu.memory_space<vmem>>
      %dma_start3A_58 = tpu.memref_slice %arg5[%add3A_52] : memref<25600xi32, #tpu.memory_space<vmem>> -> memref<72xi32, #tpu.memory_space<vmem>>
      %dma_start3A_59 = arith.constant 0 : i32
      %dma_start3A_60 = arith.constant 0 : i32
      %dma_start3A_61 = tpu.memref_slice %arg3[%dma_start3A_59, %dma_start3A_60] : memref<1007616x32xf32, #tpu.memory_space<hbm>> -> memref<1007616x32xf32, #tpu.memory_space<hbm>>
      tpu.enqueue_indirect_dma source(%dma_start3A_61 : memref<1007616x32xf32, #tpu.memory_space<hbm>>) target(%dma_start3A_57 : memref<72x32xf32, #tpu.memory_space<vmem>>) offsets(%dma_start3A_58 : memref<72xi32, #tpu.memory_space<vmem>>) semaphore(%arg9 : memref<!tpu.dma_semaphore, #tpu.memory_space<semaphore_mem>>)
      %dma_wait3A = arith.constant 0 : i32
      %dma_wait3A_62 = arith.constant 0 : i32
      %dma_wait3A_63 = arith.constant 0 : i32
      %dma_wait3A_64 = tpu.memref_slice %arg6[%dma_wait3A, %dma_wait3A_62, %dma_wait3A_63] : memref<2x200x32xf32, #tpu.memory_space<vmem>> -> memref<1x128x32xf32, #tpu.memory_space<vmem>>
      %dma_wait3A_65 = tpu.memref_squeeze %dma_wait3A_64 : memref<1x128x32xf32, #tpu.memory_space<vmem>> -> memref<128x32xf32, #tpu.memory_space<vmem>>
      %dma_wait3A_66 = arith.constant 0 : i32
      %dma_wait3A_67 = tpu.memref_slice %arg5[%dma_wait3A_66] : memref<25600xi32, #tpu.memory_space<vmem>> -> memref<128xi32, #tpu.memory_space<vmem>>
      %dma_wait3A_68 = arith.constant 0 : i32
      %dma_wait3A_69 = arith.constant 0 : i32
      %dma_wait3A_70 = tpu.memref_slice %arg3[%dma_wait3A_68, %dma_wait3A_69] : memref<1007616x32xf32, #tpu.memory_space<hbm>> -> memref<1007616x32xf32, #tpu.memory_space<hbm>>
      tpu.wait_indirect_dma semaphore(%arg8 : memref<!tpu.dma_semaphore, #tpu.memory_space<semaphore_mem>>) src(%dma_wait3A_70 : memref<1007616x32xf32, #tpu.memory_space<hbm>>) dst(%dma_wait3A_65 : memref<128x32xf32, #tpu.memory_space<vmem>>)
      %dma_wait3A_71 = arith.constant 0 : i32
      %dma_wait3A_72 = arith.constant 128 : i32
      %dma_wait3A_73 = arith.constant 0 : i32
      %dma_wait3A_74 = tpu.memref_slice %arg6[%dma_wait3A_71, %dma_wait3A_72, %dma_wait3A_73] : memref<2x200x32xf32, #tpu.memory_space<vmem>> -> memref<1x72x32xf32, #tpu.memory_space<vmem>>
      %dma_wait3A_75 = tpu.memref_squeeze %dma_wait3A_74 : memref<1x72x32xf32, #tpu.memory_space<vmem>> -> memref<72x32xf32, #tpu.memory_space<vmem>>
      %dma_wait3A_76 = arith.constant 0 : i32
      %dma_wait3A_77 = tpu.memref_slice %arg5[%dma_wait3A_76] : memref<25600xi32, #tpu.memory_space<vmem>> -> memref<72xi32, #tpu.memory_space<vmem>>
      %dma_wait3A_78 = arith.constant 0 : i32
      %dma_wait3A_79 = arith.constant 0 : i32
      %dma_wait3A_80 = tpu.memref_slice %arg3[%dma_wait3A_78, %dma_wait3A_79] : memref<1007616x32xf32, #tpu.memory_space<hbm>> -> memref<1007616x32xf32, #tpu.memory_space<hbm>>
      tpu.wait_indirect_dma semaphore(%arg8 : memref<!tpu.dma_semaphore, #tpu.memory_space<semaphore_mem>>) src(%dma_wait3A_80 : memref<1007616x32xf32, #tpu.memory_space<hbm>>) dst(%dma_wait3A_75 : memref<72x32xf32, #tpu.memory_space<vmem>>)
      %get3A = arith.constant 0 : i32
      %get3A_81 = arith.constant 0 : i32
      %get3A_82 = arith.index_cast %get3A : i32 to index
      %get3A_83 = arith.index_cast %get3A_81 : i32 to index
      %get3A_84 = arith.constant 0 : index
      %get3A_85 = tpu.vector_load %arg6[%get3A_82, %get3A_83, %get3A_84] {strides = array<i32>} : memref<2x200x32xf32, #tpu.memory_space<vmem>>, vector<16xf32>,
      %bitcast3A = vector.bitcast %get3A_85 : vector<16xf32> to vector<32xbf16>
      %get3A_86 = arith.constant 0 : i32
      %get3A_87 = arith.constant 0 : i32
      %get3A_88 = arith.index_cast %get3A_86 : i32 to index
      %get3A_89 = arith.index_cast %get3A_87 : i32 to index
      %get3A_90 = arith.constant 16 : index
      %get3A_91 = tpu.vector_load %arg6[%get3A_88, %get3A_89, %get3A_90] {strides = array<i32>} : memref<2x200x32xf32, #tpu.memory_space<vmem>>, vector<16xf32>,
      %bitcast3A_92 = vector.bitcast %get3A_91 : vector<16xf32> to vector<32xbf16>
      %get3A_93 = arith.constant 0 : i32
      %get3A_94 = arith.constant 1 : i32
      %get3A_95 = arith.index_cast %get3A_93 : i32 to index
      %get3A_96 = arith.index_cast %get3A_94 : i32 to index
      %get3A_97 = arith.constant 0 : index
      %get3A_98 = tpu.vector_load %arg6[%get3A_95, %get3A_96, %get3A_97] {strides = array<i32>} : memref<2x200x32xf32, #tpu.memory_space<vmem>>, vector<16xf32>,
      %bitcast3A_99 = vector.bitcast %get3A_98 : vector<16xf32> to vector<32xbf16>
      %max3A = arith.maximumf %bitcast3A, %bitcast3A_99 : vector<32xbf16>
      %get3A_100 = arith.constant 0 : i32
      %get3A_101 = arith.constant 1 : i32
      %get3A_102 = arith.index_cast %get3A_100 : i32 to index
      %get3A_103 = arith.index_cast %get3A_101 : i32 to index
      %get3A_104 = arith.constant 16 : index
      %get3A_105 = tpu.vector_load %arg6[%get3A_102, %get3A_103, %get3A_104] {strides = array<i32>} : memref<2x200x32xf32, #tpu.memory_space<vmem>>, vector<16xf32>,
      %bitcast3A_106 = vector.bitcast %get3A_105 : vector<16xf32> to vector<32xbf16>
      %max3A_107 = arith.maximumf %bitcast3A_92, %bitcast3A_106 : vector<32xbf16>
      %get3A_108 = arith.constant 0 : i32
      %get3A_109 = arith.constant 2 : i32
      %get3A_110 = arith.index_cast %get3A_108 : i32 to index
      %get3A_111 = arith.index_cast %get3A_109 : i32 to index
      %get3A_112 = arith.constant 0 : index
      %get3A_113 = tpu.vector_load %arg6[%get3A_110, %get3A_111, %get3A_112] {strides = array<i32>} : memref<2x200x32xf32, #tpu.memory_space<vmem>>, vector<16xf32>,
      %bitcast3A_114 = vector.bitcast %get3A_113 : vector<16xf32> to vector<32xbf16>
      %max3A_115 = arith.maximumf %max3A, %bitcast3A_114 : vector<32xbf16>
      %get3A_116 = arith.constant 0 : i32
      %get3A_117 = arith.constant 2 : i32
      %get3A_118 = arith.index_cast %get3A_116 : i32 to index
      %get3A_119 = arith.index_cast %get3A_117 : i32 to index
      %get3A_120 = arith.constant 16 : index
      %get3A_121 = tpu.vector_load %arg6[%get3A_118, %get3A_119, %get3A_120] {strides = array<i32>} : memref<2x200x32xf32, #tpu.memory_space<vmem>>, vector<16xf32>,
      %bitcast3A_122 = vector.bitcast %get3A_121 : vector<16xf32> to vector<32xbf16>
      %max3A_123 = arith.maximumf %max3A_107, %bitcast3A_122 : vector<32xbf16>
      %get3A_124 = arith.constant 0 : i32
      %get3A_125 = arith.constant 3 : i32
      %get3A_126 = arith.index_cast %get3A_124 : i32 to index
      %get3A_127 = arith.index_cast %get3A_125 : i32 to index
      %get3A_128 = arith.constant 0 : index
      %get3A_129 = tpu.vector_load %arg6[%get3A_126, %get3A_127, %get3A_128] {strides = array<i32>} : memref<2x200x32xf32, #tpu.memory_space<vmem>>, vector<16xf32>,
      %bitcast3A_130 = vector.bitcast %get3A_129 : vector<16xf32> to vector<32xbf16>
      %max3A_131 = arith.maximumf %max3A_115, %bitcast3A_130 : vector<32xbf16>
      %get3A_132 = arith.constant 0 : i32
      %get3A_133 = arith.constant 3 : i32
      %get3A_134 = arith.index_cast %get3A_132 : i32 to index
      %get3A_135 = arith.index_cast %get3A_133 : i32 to index
      %get3A_136 = arith.constant 16 : index
      %get3A_137 = tpu.vector_load %arg6[%get3A_134, %get3A_135, %get3A_136] {strides = array<i32>} : memref<2x200x32xf32, #tpu.memory_space<vmem>>, vector<16xf32>,
      %bitcast3A_138 = vector.bitcast %get3A_137 : vector<16xf32> to vector<32xbf16>
      %max3A_139 = arith.maximumf %max3A_123, %bitcast3A_138 : vector<32xbf16>
      %get3A_140 = arith.constant 0 : i32
      %get3A_141 = arith.constant 4 : i32
      %get3A_142 = arith.index_cast %get3A_140 : i32 to index
      %get3A_143 = arith.index_cast %get3A_141 : i32 to index
      %get3A_144 = arith.constant 0 : index
      %get3A_145 = tpu.vector_load %arg6[%get3A_142, %get3A_143, %get3A_144] {strides = array<i32>} : memref<2x200x32xf32, #tpu.memory_space<vmem>>, vector<16xf32>,
      %bitcast3A_146 = vector.bitcast %get3A_145 : vector<16xf32> to vector<32xbf16>
      %max3A_147 = arith.maximumf %max3A_131, %bitcast3A_146 : vector<32xbf16>
      %get3A_148 = arith.constant 0 : i32
      %get3A_149 = arith.constant 4 : i32
      %get3A_150 = arith.index_cast %get3A_148 : i32 to index
      %get3A_151 = arith.index_cast %get3A_149 : i32 to index
      %get3A_152 = arith.constant 16 : index
      %get3A_153 = tpu.vector_load %arg6[%get3A_150, %get3A_151, %get3A_152] {strides = array<i32>} : memref<2x200x32xf32, #tpu.memory_space<vmem>>, vector<16xf32>,
      %bitcast3A_154 = vector.bitcast %get3A_153 : vector<16xf32> to vector<32xbf16>
      %max3A_155 = arith.maximumf %max3A_139, %bitcast3A_154 : vector<32xbf16>
      %get3A_156 = arith.constant 0 : i32
      %get3A_157 = arith.constant 5 : i32
      %get3A_158 = arith.index_cast %get3A_156 : i32 to index
      %get3A_159 = arith.index_cast %get3A_157 : i32 to index
      %get3A_160 = arith.constant 0 : index
      %get3A_161 = tpu.vector_load %arg6[%get3A_158, %get3A_159, %get3A_160] {strides = array<i32>} : memref<2x200x32xf32, #tpu.memory_space<vmem>>, vector<16xf32>,
      %bitcast3A_162 = vector.bitcast %get3A_161 : vector<16xf32> to vector<32xbf16>
      %max3A_163 = arith.maximumf %max3A_147, %bitcast3A_162 : vector<32xbf16>
      %get3A_164 = arith.constant 0 : i32
      %get3A_165 = arith.constant 5 : i32
      %get3A_166 = arith.index_cast %get3A_164 : i32 to index
      %get3A_167 = arith.index_cast %get3A_165 : i32 to index
      %get3A_168 = arith.constant 16 : index
      %get3A_169 = tpu.vector_load %arg6[%get3A_166, %get3A_167, %get3A_168] {strides = array<i32>} : memref<2x200x32xf32, #tpu.memory_space<vmem>>, vector<16xf32>,
      %bitcast3A_170 = vector.bitcast %get3A_169 : vector<16xf32> to vector<32xbf16>
      %max3A_171 = arith.maximumf %max3A_155, %bitcast3A_170 : vector<32xbf16>
      %get3A_172 = arith.constant 0 : i32
      %get3A_173 = arith.constant 6 : i32
      %get3A_174 = arith.index_cast %get3A_172 : i32 to index
      %get3A_175 = arith.index_cast %get3A_173 : i32 to index
      %get3A_176 = arith.constant 0 : index
      %get3A_177 = tpu.vector_load %arg6[%get3A_174, %get3A_175, %get3A_176] {strides = array<i32>} : memref<2x200x32xf32, #tpu.memory_space<vmem>>, vector<16xf32>,
      %bitcast3A_178 = vector.bitcast %get3A_177 : vector<16xf32> to vector<32xbf16>
      %max3A_179 = arith.maximumf %max3A_163, %bitcast3A_178 : vector<32xbf16>
      %get3A_180 = arith.constant 0 : i32
      %get3A_181 = arith.constant 6 : i32
      %get3A_182 = arith.index_cast %get3A_180 : i32 to index
      %get3A_183 = arith.index_cast %get3A_181 : i32 to index
      %get3A_184 = arith.constant 16 : index
      %get3A_185 = tpu.vector_load %arg6[%get3A_182, %get3A_183, %get3A_184] {strides = array<i32>} : memref<2x200x32xf32, #tpu.memory_space<vmem>>, vector<16xf32>,
      %bitcast3A_186 = vector.bitcast %get3A_185 : vector<16xf32> to vector<32xbf16>
      %max3A_187 = arith.maximumf %max3A_171, %bitcast3A_186 : vector<32xbf16>
      %get3A_188 = arith.constant 0 : i32
      %get3A_189 = arith.constant 7 : i32
      %get3A_190 = arith.index_cast %get3A_188 : i32 to index
      %get3A_191 = arith.index_cast %get3A_189 : i32 to index
      %get3A_192 = arith.constant 0 : index
      %get3A_193 = tpu.vector_load %arg6[%get3A_190, %get3A_191, %get3A_192] {strides = array<i32>} : memref<2x200x32xf32, #tpu.memory_space<vmem>>, vector<16xf32>,
      %bitcast3A_194 = vector.bitcast %get3A_193 : vector<16xf32> to vector<32xbf16>
      %max3A_195 = arith.maximumf %max3A_179, %bitcast3A_194 : vector<32xbf16>
      %get3A_196 = arith.constant 0 : i32
      %get3A_197 = arith.constant 7 : i32
      %get3A_198 = arith.index_cast %get3A_196 : i32 to index
      %get3A_199 = arith.index_cast %get3A_197 : i32 to index
      %get3A_200 = arith.constant 16 : index
      %get3A_201 = tpu.vector_load %arg6[%get3A_198, %get3A_199, %get3A_200] {strides = array<i32>} : memref<2x200x32xf32, #tpu.memory_space<vmem>>, vector<16xf32>,
      %bitcast3A_202 = vector.bitcast %get3A_201 : vector<16xf32> to vector<32xbf16>
      %max3A_203 = arith.maximumf %max3A_187, %bitcast3A_202 : vector<32xbf16>
      %scan3A_204 = arith.constant 0 : i32
      %scan3A_205 = arith.constant 24 : i32
      %scan3A_206 = arith.addi %scan3A_204, %scan3A_205 : i32
      %scan3A_207 = arith.constant 1 : i32
      %scan3A_208:2 = scf.for %scan3A_396 = %scan3A_204 to %scan3A_206 step %scan3A_207 iter_args(%scan3A_397 = %max3A_195, %scan3A_398 = %max3A_203) -> (vector<32xbf16>, vector<32xbf16>)  : i32 {
        %mul3A_399 = arith.constant 8 : i32
        %mul3A_400 = arith.muli %scan3A_396, %mul3A_399 : i32
        %add3A_401 = arith.constant 8 : i32
        %add3A_402 = arith.addi %add3A_401, %mul3A_400 : i32
        %add3A_403 = arith.constant 0 : i32
        %add3A_404 = arith.addi %add3A_402, %add3A_403 : i32
        %get3A_405 = arith.constant 0 : i32
        %get3A_406 = arith.index_cast %get3A_405 : i32 to index
        %get3A_407 = arith.index_cast %add3A_404 : i32 to index
        %get3A_408 = arith.constant 0 : index
        %get3A_409 = tpu.vector_load %arg6[%get3A_406, %get3A_407, %get3A_408] {strides = array<i32>} : memref<2x200x32xf32, #tpu.memory_space<vmem>>, vector<16xf32>,
        %bitcast3A_410 = vector.bitcast %get3A_409 : vector<16xf32> to vector<32xbf16>
        %max3A_411 = arith.maximumf %scan3A_397, %bitcast3A_410 : vector<32xbf16>
        %add3A_412 = arith.constant 0 : i32
        %add3A_413 = arith.addi %add3A_402, %add3A_412 : i32
        %get3A_414 = arith.constant 0 : i32
        %get3A_415 = arith.index_cast %get3A_414 : i32 to index
        %get3A_416 = arith.index_cast %add3A_413 : i32 to index
        %get3A_417 = arith.constant 16 : index
        %get3A_418 = tpu.vector_load %arg6[%get3A_415, %get3A_416, %get3A_417] {strides = array<i32>} : memref<2x200x32xf32, #tpu.memory_space<vmem>>, vector<16xf32>,
        %bitcast3A_419 = vector.bitcast %get3A_418 : vector<16xf32> to vector<32xbf16>
        %max3A_420 = arith.maximumf %scan3A_398, %bitcast3A_419 : vector<32xbf16>
        %add3A_421 = arith.constant 1 : i32
        %add3A_422 = arith.addi %add3A_402, %add3A_421 : i32
        %get3A_423 = arith.constant 0 : i32
        %get3A_424 = arith.index_cast %get3A_423 : i32 to index
        %get3A_425 = arith.index_cast %add3A_422 : i32 to index
        %get3A_426 = arith.constant 0 : index
        %get3A_427 = tpu.vector_load %arg6[%get3A_424, %get3A_425, %get3A_426] {strides = array<i32>} : memref<2x200x32xf32, #tpu.memory_space<vmem>>, vector<16xf32>,
        %bitcast3A_428 = vector.bitcast %get3A_427 : vector<16xf32> to vector<32xbf16>
        %max3A_429 = arith.maximumf %max3A_411, %bitcast3A_428 : vector<32xbf16>
        %add3A_430 = arith.constant 1 : i32
        %add3A_431 = arith.addi %add3A_402, %add3A_430 : i32
        %get3A_432 = arith.constant 0 : i32
        %get3A_433 = arith.index_cast %get3A_432 : i32 to index
        %get3A_434 = arith.index_cast %add3A_431 : i32 to index
        %get3A_435 = arith.constant 16 : index
        %get3A_436 = tpu.vector_load %arg6[%get3A_433, %get3A_434, %get3A_435] {strides = array<i32>} : memref<2x200x32xf32, #tpu.memory_space<vmem>>, vector<16xf32>,
        %bitcast3A_437 = vector.bitcast %get3A_436 : vector<16xf32> to vector<32xbf16>
        %max3A_438 = arith.maximumf %max3A_420, %bitcast3A_437 : vector<32xbf16>
        %add3A_439 = arith.constant 2 : i32
        %add3A_440 = arith.addi %add3A_402, %add3A_439 : i32
        %get3A_441 = arith.constant 0 : i32
        %get3A_442 = arith.index_cast %get3A_441 : i32 to index
        %get3A_443 = arith.index_cast %add3A_440 : i32 to index
        %get3A_444 = arith.constant 0 : index
        %get3A_445 = tpu.vector_load %arg6[%get3A_442, %get3A_443, %get3A_444] {strides = array<i32>} : memref<2x200x32xf32, #tpu.memory_space<vmem>>, vector<16xf32>,
        %bitcast3A_446 = vector.bitcast %get3A_445 : vector<16xf32> to vector<32xbf16>
        %max3A_447 = arith.maximumf %max3A_429, %bitcast3A_446 : vector<32xbf16>
        %add3A_448 = arith.constant 2 : i32
        %add3A_449 = arith.addi %add3A_402, %add3A_448 : i32
        %get3A_450 = arith.constant 0 : i32
        %get3A_451 = arith.index_cast %get3A_450 : i32 to index
        %get3A_452 = arith.index_cast %add3A_449 : i32 to index
        %get3A_453 = arith.constant 16 : index
        %get3A_454 = tpu.vector_load %arg6[%get3A_451, %get3A_452, %get3A_453] {strides = array<i32>} : memref<2x200x32xf32, #tpu.memory_space<vmem>>, vector<16xf32>,
        %bitcast3A_455 = vector.bitcast %get3A_454 : vector<16xf32> to vector<32xbf16>
        %max3A_456 = arith.maximumf %max3A_438, %bitcast3A_455 : vector<32xbf16>
        %add3A_457 = arith.constant 3 : i32
        %add3A_458 = arith.addi %add3A_402, %add3A_457 : i32
        %get3A_459 = arith.constant 0 : i32
        %get3A_460 = arith.index_cast %get3A_459 : i32 to index
        %get3A_461 = arith.index_cast %add3A_458 : i32 to index
        %get3A_462 = arith.constant 0 : index
        %get3A_463 = tpu.vector_load %arg6[%get3A_460, %get3A_461, %get3A_462] {strides = array<i32>} : memref<2x200x32xf32, #tpu.memory_space<vmem>>, vector<16xf32>,
        %bitcast3A_464 = vector.bitcast %get3A_463 : vector<16xf32> to vector<32xbf16>
        %max3A_465 = arith.maximumf %max3A_447, %bitcast3A_464 : vector<32xbf16>
        %add3A_466 = arith.constant 3 : i32
        %add3A_467 = arith.addi %add3A_402, %add3A_466 : i32
        %get3A_468 = arith.constant 0 : i32
        %get3A_469 = arith.index_cast %get3A_468 : i32 to index
        %get3A_470 = arith.index_cast %add3A_467 : i32 to index
        %get3A_471 = arith.constant 16 : index
        %get3A_472 = tpu.vector_load %arg6[%get3A_469, %get3A_470, %get3A_471] {strides = array<i32>} : memref<2x200x32xf32, #tpu.memory_space<vmem>>, vector<16xf32>,
        %bitcast3A_473 = vector.bitcast %get3A_472 : vector<16xf32> to vector<32xbf16>
        %max3A_474 = arith.maximumf %max3A_456, %bitcast3A_473 : vector<32xbf16>
        %add3A_475 = arith.constant 4 : i32
        %add3A_476 = arith.addi %add3A_402, %add3A_475 : i32
        %get3A_477 = arith.constant 0 : i32
        %get3A_478 = arith.index_cast %get3A_477 : i32 to index
        %get3A_479 = arith.index_cast %add3A_476 : i32 to index
        %get3A_480 = arith.constant 0 : index
        %get3A_481 = tpu.vector_load %arg6[%get3A_478, %get3A_479, %get3A_480] {strides = array<i32>} : memref<2x200x32xf32, #tpu.memory_space<vmem>>, vector<16xf32>,
        %bitcast3A_482 = vector.bitcast %get3A_481 : vector<16xf32> to vector<32xbf16>
        %max3A_483 = arith.maximumf %max3A_465, %bitcast3A_482 : vector<32xbf16>
        %add3A_484 = arith.constant 4 : i32
        %add3A_485 = arith.addi %add3A_402, %add3A_484 : i32
        %get3A_486 = arith.constant 0 : i32
        %get3A_487 = arith.index_cast %get3A_486 : i32 to index
        %get3A_488 = arith.index_cast %add3A_485 : i32 to index
        %get3A_489 = arith.constant 16 : index
        %get3A_490 = tpu.vector_load %arg6[%get3A_487, %get3A_488, %get3A_489] {strides = array<i32>} : memref<2x200x32xf32, #tpu.memory_space<vmem>>, vector<16xf32>,
        %bitcast3A_491 = vector.bitcast %get3A_490 : vector<16xf32> to vector<32xbf16>
        %max3A_492 = arith.maximumf %max3A_474, %bitcast3A_491 : vector<32xbf16>
        %add3A_493 = arith.constant 5 : i32
        %add3A_494 = arith.addi %add3A_402, %add3A_493 : i32
        %get3A_495 = arith.constant 0 : i32
        %get3A_496 = arith.index_cast %get3A_495 : i32 to index
        %get3A_497 = arith.index_cast %add3A_494 : i32 to index
        %get3A_498 = arith.constant 0 : index
        %get3A_499 = tpu.vector_load %arg6[%get3A_496, %get3A_497, %get3A_498] {strides = array<i32>} : memref<2x200x32xf32, #tpu.memory_space<vmem>>, vector<16xf32>,
        %bitcast3A_500 = vector.bitcast %get3A_499 : vector<16xf32> to vector<32xbf16>
        %max3A_501 = arith.maximumf %max3A_483, %bitcast3A_500 : vector<32xbf16>
        %add3A_502 = arith.constant 5 : i32
        %add3A_503 = arith.addi %add3A_402, %add3A_502 : i32
        %get3A_504 = arith.constant 0 : i32
        %get3A_505 = arith.index_cast %get3A_504 : i32 to index
        %get3A_506 = arith.index_cast %add3A_503 : i32 to index
        %get3A_507 = arith.constant 16 : index
        %get3A_508 = tpu.vector_load %arg6[%get3A_505, %get3A_506, %get3A_507] {strides = array<i32>} : memref<2x200x32xf32, #tpu.memory_space<vmem>>, vector<16xf32>,
        %bitcast3A_509 = vector.bitcast %get3A_508 : vector<16xf32> to vector<32xbf16>
        %max3A_510 = arith.maximumf %max3A_492, %bitcast3A_509 : vector<32xbf16>
        %add3A_511 = arith.constant 6 : i32
        %add3A_512 = arith.addi %add3A_402, %add3A_511 : i32
        %get3A_513 = arith.constant 0 : i32
        %get3A_514 = arith.index_cast %get3A_513 : i32 to index
        %get3A_515 = arith.index_cast %add3A_512 : i32 to index
        %get3A_516 = arith.constant 0 : index
        %get3A_517 = tpu.vector_load %arg6[%get3A_514, %get3A_515, %get3A_516] {strides = array<i32>} : memref<2x200x32xf32, #tpu.memory_space<vmem>>, vector<16xf32>,
        %bitcast3A_518 = vector.bitcast %get3A_517 : vector<16xf32> to vector<32xbf16>
        %max3A_519 = arith.maximumf %max3A_501, %bitcast3A_518 : vector<32xbf16>
        %add3A_520 = arith.constant 6 : i32
        %add3A_521 = arith.addi %add3A_402, %add3A_520 : i32
        %get3A_522 = arith.constant 0 : i32
        %get3A_523 = arith.index_cast %get3A_522 : i32 to index
        %get3A_524 = arith.index_cast %add3A_521 : i32 to index
        %get3A_525 = arith.constant 16 : index
        %get3A_526 = tpu.vector_load %arg6[%get3A_523, %get3A_524, %get3A_525] {strides = array<i32>} : memref<2x200x32xf32, #tpu.memory_space<vmem>>, vector<16xf32>,
        %bitcast3A_527 = vector.bitcast %get3A_526 : vector<16xf32> to vector<32xbf16>
        %max3A_528 = arith.maximumf %max3A_510, %bitcast3A_527 : vector<32xbf16>
        %add3A_529 = arith.constant 7 : i32
        %add3A_530 = arith.addi %add3A_402, %add3A_529 : i32
        %get3A_531 = arith.constant 0 : i32
        %get3A_532 = arith.index_cast %get3A_531 : i32 to index
        %get3A_533 = arith.index_cast %add3A_530 : i32 to index
        %get3A_534 = arith.constant 0 : index
        %get3A_535 = tpu.vector_load %arg6[%get3A_532, %get3A_533, %get3A_534] {strides = array<i32>} : memref<2x200x32xf32, #tpu.memory_space<vmem>>, vector<16xf32>,
        %bitcast3A_536 = vector.bitcast %get3A_535 : vector<16xf32> to vector<32xbf16>
        %max3A_537 = arith.maximumf %max3A_519, %bitcast3A_536 : vector<32xbf16>
        %add3A_538 = arith.constant 7 : i32
        %add3A_539 = arith.addi %add3A_402, %add3A_538 : i32
        %get3A_540 = arith.constant 0 : i32
        %get3A_541 = arith.index_cast %get3A_540 : i32 to index
        %get3A_542 = arith.index_cast %add3A_539 : i32 to index
        %get3A_543 = arith.constant 16 : index
        %get3A_544 = tpu.vector_load %arg6[%get3A_541, %get3A_542, %get3A_543] {strides = array<i32>} : memref<2x200x32xf32, #tpu.memory_space<vmem>>, vector<16xf32>,
        %bitcast3A_545 = vector.bitcast %get3A_544 : vector<16xf32> to vector<32xbf16>
        %max3A_546 = arith.maximumf %max3A_528, %bitcast3A_545 : vector<32xbf16>
        scf.yield %max3A_537, %max3A_546 : vector<32xbf16>, vector<32xbf16>
      }
      %scan3A_209 = arith.constant 24 : i32
      %unpack3A = tpu.unpack_subelements %scan3A_208#0, 0 {pack_format = #tpu.pack_format<interleaved>} : vector<32xbf16> -> vector<16xf32>
      %unpack3A_210 = tpu.unpack_subelements %scan3A_208#0, 1 {pack_format = #tpu.pack_format<interleaved>} : vector<32xbf16> -> vector<16xf32>
      %unpack3A_211 = tpu.unpack_subelements %scan3A_208#1, 0 {pack_format = #tpu.pack_format<interleaved>} : vector<32xbf16> -> vector<16xf32>
      %unpack3A_212 = tpu.unpack_subelements %scan3A_208#1, 1 {pack_format = #tpu.pack_format<interleaved>} : vector<32xbf16> -> vector<16xf32>
      %swap3A = arith.index_cast %mul3A_37 : i32 to index
      %swap3A_213 = arith.constant 0 : index
      %swap3A_214 = tpu.vector_load %arg7[%swap3A, %swap3A_213] {strides = array<i32>} : memref<128x64xf32, #tpu.memory_space<vmem>>, vector<16xf32>,
      tpu.vector_store %arg7[%swap3A, %swap3A_213], %unpack3A {strides = array<i32>} : memref<128x64xf32, #tpu.memory_space<vmem>>, vector<16xf32>,
      %swap3A_215 = arith.index_cast %mul3A_37 : i32 to index
      %swap3A_216 = arith.constant 16 : index
      %swap3A_217 = tpu.vector_load %arg7[%swap3A_215, %swap3A_216] {strides = array<i32>} : memref<128x64xf32, #tpu.memory_space<vmem>>, vector<16xf32>,
      tpu.vector_store %arg7[%swap3A_215, %swap3A_216], %unpack3A_211 {strides = array<i32>} : memref<128x64xf32, #tpu.memory_space<vmem>>, vector<16xf32>,
      %swap3A_218 = arith.index_cast %mul3A_37 : i32 to index
      %swap3A_219 = arith.constant 32 : index
      %swap3A_220 = tpu.vector_load %arg7[%swap3A_218, %swap3A_219] {strides = array<i32>} : memref<128x64xf32, #tpu.memory_space<vmem>>, vector<16xf32>,
      tpu.vector_store %arg7[%swap3A_218, %swap3A_219], %unpack3A_210 {strides = array<i32>} : memref<128x64xf32, #tpu.memory_space<vmem>>, vector<16xf32>,
      %swap3A_221 = arith.index_cast %mul3A_37 : i32 to index
      %swap3A_222 = arith.constant 48 : index
      %swap3A_223 = tpu.vector_load %arg7[%swap3A_221, %swap3A_222] {strides = array<i32>} : memref<128x64xf32, #tpu.memory_space<vmem>>, vector<16xf32>,
      tpu.vector_store %arg7[%swap3A_221, %swap3A_222], %unpack3A_212 {strides = array<i32>} : memref<128x64xf32, #tpu.memory_space<vmem>>, vector<16xf32>,
      %add3A_224 = arith.constant 1 : i32
      %add3A_225 = arith.addi %scan3A_35, %add3A_224 : i32
      %lt3A = arith.constant 64 : i32
      %lt3A_226 = arith.cmpi slt, %add3A_225, %lt3A : i32
      %convert_element_type3A = arith.extui %lt3A_226 : i1 to i32
      %cond3A = arith.constant 0 : i32
      %cond3A_227 = arith.cmpi ne, %convert_element_type3A, %cond3A : i32
      scf.if %cond3A_227 {
        %add3A_396 = arith.constant 2 : i32
        %add3A_397 = arith.addi %mul3A_37, %add3A_396 : i32
        %mul3A_398 = arith.constant 200 : i32
        %mul3A_399 = arith.muli %add3A_397, %mul3A_398 : i32
        %dma_start3A_400 = arith.constant 0 : i32
        %dma_start3A_401 = arith.constant 0 : i32
        %dma_start3A_402 = arith.constant 0 : i32
        %dma_start3A_403 = tpu.memref_slice %arg6[%dma_start3A_400, %dma_start3A_401, %dma_start3A_402] : memref<2x200x32xf32, #tpu.memory_space<vmem>> -> memref<1x128x32xf32, #tpu.memory_space<vmem>>
        %dma_start3A_404 = tpu.memref_squeeze %dma_start3A_403 : memref<1x128x32xf32, #tpu.memory_space<vmem>> -> memref<128x32xf32, #tpu.memory_space<vmem>>
        %dma_start3A_405 = tpu.memref_slice %arg5[%mul3A_399] : memref<25600xi32, #tpu.memory_space<vmem>> -> memref<128xi32, #tpu.memory_space<vmem>>
        %dma_start3A_406 = arith.constant 0 : i32
        %dma_start3A_407 = arith.constant 0 : i32
        %dma_start3A_408 = tpu.memref_slice %arg3[%dma_start3A_406, %dma_start3A_407] : memref<1007616x32xf32, #tpu.memory_space<hbm>> -> memref<1007616x32xf32, #tpu.memory_space<hbm>>
        tpu.enqueue_indirect_dma source(%dma_start3A_408 : memref<1007616x32xf32, #tpu.memory_space<hbm>>) target(%dma_start3A_404 : memref<128x32xf32, #tpu.memory_space<vmem>>) offsets(%dma_start3A_405 : memref<128xi32, #tpu.memory_space<vmem>>) semaphore(%arg8 : memref<!tpu.dma_semaphore, #tpu.memory_space<semaphore_mem>>)
        %add3A_409 = arith.constant 128 : i32
        %add3A_410 = arith.addi %mul3A_399, %add3A_409 : i32
        %dma_start3A_411 = arith.constant 0 : i32
        %dma_start3A_412 = arith.constant 128 : i32
        %dma_start3A_413 = arith.constant 0 : i32
        %dma_start3A_414 = tpu.memref_slice %arg6[%dma_start3A_411, %dma_start3A_412, %dma_start3A_413] : memref<2x200x32xf32, #tpu.memory_space<vmem>> -> memref<1x72x32xf32, #tpu.memory_space<vmem>>
        %dma_start3A_415 = tpu.memref_squeeze %dma_start3A_414 : memref<1x72x32xf32, #tpu.memory_space<vmem>> -> memref<72x32xf32, #tpu.memory_space<vmem>>
        %dma_start3A_416 = tpu.memref_slice %arg5[%add3A_410] : memref<25600xi32, #tpu.memory_space<vmem>> -> memref<72xi32, #tpu.memory_space<vmem>>
        %dma_start3A_417 = arith.constant 0 : i32
        %dma_start3A_418 = arith.constant 0 : i32
        %dma_start3A_419 = tpu.memref_slice %arg3[%dma_start3A_417, %dma_start3A_418] : memref<1007616x32xf32, #tpu.memory_space<hbm>> -> memref<1007616x32xf32, #tpu.memory_space<hbm>>
        tpu.enqueue_indirect_dma source(%dma_start3A_419 : memref<1007616x32xf32, #tpu.memory_space<hbm>>) target(%dma_start3A_415 : memref<72x32xf32, #tpu.memory_space<vmem>>) offsets(%dma_start3A_416 : memref<72xi32, #tpu.memory_space<vmem>>) semaphore(%arg8 : memref<!tpu.dma_semaphore, #tpu.memory_space<semaphore_mem>>)
      } else {
      }
      %dma_wait3A_228 = arith.constant 1 : i32
      %dma_wait3A_229 = arith.constant 0 : i32
      %dma_wait3A_230 = arith.constant 0 : i32
      %dma_wait3A_231 = tpu.memref_slice %arg6[%dma_wait3A_228, %dma_wait3A_229, %dma_wait3A_230] : memref<2x200x32xf32, #tpu.memory_space<vmem>> -> memref<1x128x32xf32, #tpu.memory_space<vmem>>
      %dma_wait3A_232 = tpu.memref_squeeze %dma_wait3A_231 : memref<1x128x32xf32, #tpu.memory_space<vmem>> -> memref<128x32xf32, #tpu.memory_space<vmem>>
      %dma_wait3A_233 = tpu.memref_slice %arg5[%mul3A_41] : memref<25600xi32, #tpu.memory_space<vmem>> -> memref<128xi32, #tpu.memory_space<vmem>>
      %dma_wait3A_234 = arith.constant 0 : i32
      %dma_wait3A_235 = arith.constant 0 : i32
      %dma_wait3A_236 = tpu.memref_slice %arg3[%dma_wait3A_234, %dma_wait3A_235] : memref<1007616x32xf32, #tpu.memory_space<hbm>> -> memref<1007616x32xf32, #tpu.memory_space<hbm>>
      tpu.wait_indirect_dma semaphore(%arg9 : memref<!tpu.dma_semaphore, #tpu.memory_space<semaphore_mem>>) src(%dma_wait3A_236 : memref<1007616x32xf32, #tpu.memory_space<hbm>>) dst(%dma_wait3A_232 : memref<128x32xf32, #tpu.memory_space<vmem>>)
      %dma_wait3A_237 = arith.constant 1 : i32
      %dma_wait3A_238 = arith.constant 128 : i32
      %dma_wait3A_239 = arith.constant 0 : i32
      %dma_wait3A_240 = tpu.memref_slice %arg6[%dma_wait3A_237, %dma_wait3A_238, %dma_wait3A_239] : memref<2x200x32xf32, #tpu.memory_space<vmem>> -> memref<1x72x32xf32, #tpu.memory_space<vmem>>
      %dma_wait3A_241 = tpu.memref_squeeze %dma_wait3A_240 : memref<1x72x32xf32, #tpu.memory_space<vmem>> -> memref<72x32xf32, #tpu.memory_space<vmem>>
      %dma_wait3A_242 = tpu.memref_slice %arg5[%add3A_52] : memref<25600xi32, #tpu.memory_space<vmem>> -> memref<72xi32, #tpu.memory_space<vmem>>
      %dma_wait3A_243 = arith.constant 0 : i32
      %dma_wait3A_244 = arith.constant 0 : i32
      %dma_wait3A_245 = tpu.memref_slice %arg3[%dma_wait3A_243, %dma_wait3A_244] : memref<1007616x32xf32, #tpu.memory_space<hbm>> -> memref<1007616x32xf32, #tpu.memory_space<hbm>>
      tpu.wait_indirect_dma semaphore(%arg9 : memref<!tpu.dma_semaphore, #tpu.memory_space<semaphore_mem>>) src(%dma_wait3A_245 : memref<1007616x32xf32, #tpu.memory_space<hbm>>) dst(%dma_wait3A_241 : memref<72x32xf32, #tpu.memory_space<vmem>>)
      %add3A_246 = arith.constant 1 : i32
      %add3A_247 = arith.addi %mul3A_37, %add3A_246 : i32
      %get3A_248 = arith.constant 1 : i32
      %get3A_249 = arith.constant 0 : i32
      %get3A_250 = arith.index_cast %get3A_248 : i32 to index
      %get3A_251 = arith.index_cast %get3A_249 : i32 to index
      %get3A_252 = arith.constant 0 : index
      %get3A_253 = tpu.vector_load %arg6[%get3A_250, %get3A_251, %get3A_252] {strides = array<i32>} : memref<2x200x32xf32, #tpu.memory_space<vmem>>, vector<16xf32>,
      %bitcast3A_254 = vector.bitcast %get3A_253 : vector<16xf32> to vector<32xbf16>
      %get3A_255 = arith.constant 1 : i32
      %get3A_256 = arith.constant 0 : i32
      %get3A_257 = arith.index_cast %get3A_255 : i32 to index
      %get3A_258 = arith.index_cast %get3A_256 : i32 to index
      %get3A_259 = arith.constant 16 : index
      %get3A_260 = tpu.vector_load %arg6[%get3A_257, %get3A_258, %get3A_259] {strides = array<i32>} : memref<2x200x32xf32, #tpu.memory_space<vmem>>, vector<16xf32>,
      %bitcast3A_261 = vector.bitcast %get3A_260 : vector<16xf32> to vector<32xbf16>
      %get3A_262 = arith.constant 1 : i32
      %get3A_263 = arith.constant 1 : i32
      %get3A_264 = arith.index_cast %get3A_262 : i32 to index
      %get3A_265 = arith.index_cast %get3A_263 : i32 to index
      %get3A_266 = arith.constant 0 : index
      %get3A_267 = tpu.vector_load %arg6[%get3A_264, %get3A_265, %get3A_266] {strides = array<i32>} : memref<2x200x32xf32, #tpu.memory_space<vmem>>, vector<16xf32>,
      %bitcast3A_268 = vector.bitcast %get3A_267 : vector<16xf32> to vector<32xbf16>
      %max3A_269 = arith.maximumf %bitcast3A_254, %bitcast3A_268 : vector<32xbf16>
      %get3A_270 = arith.constant 1 : i32
      %get3A_271 = arith.constant 1 : i32
      %get3A_272 = arith.index_cast %get3A_270 : i32 to index
      %get3A_273 = arith.index_cast %get3A_271 : i32 to index
      %get3A_274 = arith.constant 16 : index
      %get3A_275 = tpu.vector_load %arg6[%get3A_272, %get3A_273, %get3A_274] {strides = array<i32>} : memref<2x200x32xf32, #tpu.memory_space<vmem>>, vector<16xf32>,
      %bitcast3A_276 = vector.bitcast %get3A_275 : vector<16xf32> to vector<32xbf16>
      %max3A_277 = arith.maximumf %bitcast3A_261, %bitcast3A_276 : vector<32xbf16>
      %get3A_278 = arith.constant 1 : i32
      %get3A_279 = arith.constant 2 : i32
      %get3A_280 = arith.index_cast %get3A_278 : i32 to index
      %get3A_281 = arith.index_cast %get3A_279 : i32 to index
      %get3A_282 = arith.constant 0 : index
      %get3A_283 = tpu.vector_load %arg6[%get3A_280, %get3A_281, %get3A_282] {strides = array<i32>} : memref<2x200x32xf32, #tpu.memory_space<vmem>>, vector<16xf32>,
      %bitcast3A_284 = vector.bitcast %get3A_283 : vector<16xf32> to vector<32xbf16>
      %max3A_285 = arith.maximumf %max3A_269, %bitcast3A_284 : vector<32xbf16>
      %get3A_286 = arith.constant 1 : i32
      %get3A_287 = arith.constant 2 : i32
      %get3A_288 = arith.index_cast %get3A_286 : i32 to index
      %get3A_289 = arith.index_cast %get3A_287 : i32 to index
      %get3A_290 = arith.constant 16 : index
      %get3A_291 = tpu.vector_load %arg6[%get3A_288, %get3A_289, %get3A_290] {strides = array<i32>} : memref<2x200x32xf32, #tpu.memory_space<vmem>>, vector<16xf32>,
      %bitcast3A_292 = vector.bitcast %get3A_291 : vector<16xf32> to vector<32xbf16>
      %max3A_293 = arith.maximumf %max3A_277, %bitcast3A_292 : vector<32xbf16>
      %get3A_294 = arith.constant 1 : i32
      %get3A_295 = arith.constant 3 : i32
      %get3A_296 = arith.index_cast %get3A_294 : i32 to index
      %get3A_297 = arith.index_cast %get3A_295 : i32 to index
      %get3A_298 = arith.constant 0 : index
      %get3A_299 = tpu.vector_load %arg6[%get3A_296, %get3A_297, %get3A_298] {strides = array<i32>} : memref<2x200x32xf32, #tpu.memory_space<vmem>>, vector<16xf32>,
      %bitcast3A_300 = vector.bitcast %get3A_299 : vector<16xf32> to vector<32xbf16>
      %max3A_301 = arith.maximumf %max3A_285, %bitcast3A_300 : vector<32xbf16>
      %get3A_302 = arith.constant 1 : i32
      %get3A_303 = arith.constant 3 : i32
      %get3A_304 = arith.index_cast %get3A_302 : i32 to index
      %get3A_305 = arith.index_cast %get3A_303 : i32 to index
      %get3A_306 = arith.constant 16 : index
      %get3A_307 = tpu.vector_load %arg6[%get3A_304, %get3A_305, %get3A_306] {strides = array<i32>} : memref<2x200x32xf32, #tpu.memory_space<vmem>>, vector<16xf32>,
      %bitcast3A_308 = vector.bitcast %get3A_307 : vector<16xf32> to vector<32xbf16>
      %max3A_309 = arith.maximumf %max3A_293, %bitcast3A_308 : vector<32xbf16>
      %get3A_310 = arith.constant 1 : i32
      %get3A_311 = arith.constant 4 : i32
      %get3A_312 = arith.index_cast %get3A_310 : i32 to index
      %get3A_313 = arith.index_cast %get3A_311 : i32 to index
      %get3A_314 = arith.constant 0 : index
      %get3A_315 = tpu.vector_load %arg6[%get3A_312, %get3A_313, %get3A_314] {strides = array<i32>} : memref<2x200x32xf32, #tpu.memory_space<vmem>>, vector<16xf32>,
      %bitcast3A_316 = vector.bitcast %get3A_315 : vector<16xf32> to vector<32xbf16>
      %max3A_317 = arith.maximumf %max3A_301, %bitcast3A_316 : vector<32xbf16>
      %get3A_318 = arith.constant 1 : i32
      %get3A_319 = arith.constant 4 : i32
      %get3A_320 = arith.index_cast %get3A_318 : i32 to index
      %get3A_321 = arith.index_cast %get3A_319 : i32 to index
      %get3A_322 = arith.constant 16 : index
      %get3A_323 = tpu.vector_load %arg6[%get3A_320, %get3A_321, %get3A_322] {strides = array<i32>} : memref<2x200x32xf32, #tpu.memory_space<vmem>>, vector<16xf32>,
      %bitcast3A_324 = vector.bitcast %get3A_323 : vector<16xf32> to vector<32xbf16>
      %max3A_325 = arith.maximumf %max3A_309, %bitcast3A_324 : vector<32xbf16>
      %get3A_326 = arith.constant 1 : i32
      %get3A_327 = arith.constant 5 : i32
      %get3A_328 = arith.index_cast %get3A_326 : i32 to index
      %get3A_329 = arith.index_cast %get3A_327 : i32 to index
      %get3A_330 = arith.constant 0 : index
      %get3A_331 = tpu.vector_load %arg6[%get3A_328, %get3A_329, %get3A_330] {strides = array<i32>} : memref<2x200x32xf32, #tpu.memory_space<vmem>>, vector<16xf32>,
      %bitcast3A_332 = vector.bitcast %get3A_331 : vector<16xf32> to vector<32xbf16>
      %max3A_333 = arith.maximumf %max3A_317, %bitcast3A_332 : vector<32xbf16>
      %get3A_334 = arith.constant 1 : i32
      %get3A_335 = arith.constant 5 : i32
      %get3A_336 = arith.index_cast %get3A_334 : i32 to index
      %get3A_337 = arith.index_cast %get3A_335 : i32 to index
      %get3A_338 = arith.constant 16 : index
      %get3A_339 = tpu.vector_load %arg6[%get3A_336, %get3A_337, %get3A_338] {strides = array<i32>} : memref<2x200x32xf32, #tpu.memory_space<vmem>>, vector<16xf32>,
      %bitcast3A_340 = vector.bitcast %get3A_339 : vector<16xf32> to vector<32xbf16>
      %max3A_341 = arith.maximumf %max3A_325, %bitcast3A_340 : vector<32xbf16>
      %get3A_342 = arith.constant 1 : i32
      %get3A_343 = arith.constant 6 : i32
      %get3A_344 = arith.index_cast %get3A_342 : i32 to index
      %get3A_345 = arith.index_cast %get3A_343 : i32 to index
      %get3A_346 = arith.constant 0 : index
      %get3A_347 = tpu.vector_load %arg6[%get3A_344, %get3A_345, %get3A_346] {strides = array<i32>} : memref<2x200x32xf32, #tpu.memory_space<vmem>>, vector<16xf32>,
      %bitcast3A_348 = vector.bitcast %get3A_347 : vector<16xf32> to vector<32xbf16>
      %max3A_349 = arith.maximumf %max3A_333, %bitcast3A_348 : vector<32xbf16>
      %get3A_350 = arith.constant 1 : i32
      %get3A_351 = arith.constant 6 : i32
      %get3A_352 = arith.index_cast %get3A_350 : i32 to index
      %get3A_353 = arith.index_cast %get3A_351 : i32 to index
      %get3A_354 = arith.constant 16 : index
      %get3A_355 = tpu.vector_load %arg6[%get3A_352, %get3A_353, %get3A_354] {strides = array<i32>} : memref<2x200x32xf32, #tpu.memory_space<vmem>>, vector<16xf32>,
      %bitcast3A_356 = vector.bitcast %get3A_355 : vector<16xf32> to vector<32xbf16>
      %max3A_357 = arith.maximumf %max3A_341, %bitcast3A_356 : vector<32xbf16>
      %get3A_358 = arith.constant 1 : i32
      %get3A_359 = arith.constant 7 : i32
      %get3A_360 = arith.index_cast %get3A_358 : i32 to index
      %get3A_361 = arith.index_cast %get3A_359 : i32 to index
      %get3A_362 = arith.constant 0 : index
      %get3A_363 = tpu.vector_load %arg6[%get3A_360, %get3A_361, %get3A_362] {strides = array<i32>} : memref<2x200x32xf32, #tpu.memory_space<vmem>>, vector<16xf32>,
      %bitcast3A_364 = vector.bitcast %get3A_363 : vector<16xf32> to vector<32xbf16>
      %max3A_365 = arith.maximumf %max3A_349, %bitcast3A_364 : vector<32xbf16>
      %get3A_366 = arith.constant 1 : i32
      %get3A_367 = arith.constant 7 : i32
      %get3A_368 = arith.index_cast %get3A_366 : i32 to index
      %get3A_369 = arith.index_cast %get3A_367 : i32 to index
      %get3A_370 = arith.constant 16 : index
      %get3A_371 = tpu.vector_load %arg6[%get3A_368, %get3A_369, %get3A_370] {strides = array<i32>} : memref<2x200x32xf32, #tpu.memory_space<vmem>>, vector<16xf32>,
      %bitcast3A_372 = vector.bitcast %get3A_371 : vector<16xf32> to vector<32xbf16>
      %max3A_373 = arith.maximumf %max3A_357, %bitcast3A_372 : vector<32xbf16>
      %scan3A_374 = arith.constant 0 : i32
      %scan3A_375 = arith.constant 24 : i32
      %scan3A_376 = arith.addi %scan3A_374, %scan3A_375 : i32
      %scan3A_377 = arith.constant 1 : i32
      %scan3A_378:2 = scf.for %scan3A_396 = %scan3A_374 to %scan3A_376 step %scan3A_377 iter_args(%scan3A_397 = %max3A_365, %scan3A_398 = %max3A_373) -> (vector<32xbf16>, vector<32xbf16>)  : i32 {
        %mul3A_399 = arith.constant 8 : i32
        %mul3A_400 = arith.muli %scan3A_396, %mul3A_399 : i32
        %add3A_401 = arith.constant 8 : i32
        %add3A_402 = arith.addi %add3A_401, %mul3A_400 : i32
        %add3A_403 = arith.constant 0 : i32
        %add3A_404 = arith.addi %add3A_402, %add3A_403 : i32
        %get3A_405 = arith.constant 1 : i32
        %get3A_406 = arith.index_cast %get3A_405 : i32 to index
        %get3A_407 = arith.index_cast %add3A_404 : i32 to index
        %get3A_408 = arith.constant 0 : index
        %get3A_409 = tpu.vector_load %arg6[%get3A_406, %get3A_407, %get3A_408] {strides = array<i32>} : memref<2x200x32xf32, #tpu.memory_space<vmem>>, vector<16xf32>,
        %bitcast3A_410 = vector.bitcast %get3A_409 : vector<16xf32> to vector<32xbf16>
        %max3A_411 = arith.maximumf %scan3A_397, %bitcast3A_410 : vector<32xbf16>
        %add3A_412 = arith.constant 0 : i32
        %add3A_413 = arith.addi %add3A_402, %add3A_412 : i32
        %get3A_414 = arith.constant 1 : i32
        %get3A_415 = arith.index_cast %get3A_414 : i32 to index
        %get3A_416 = arith.index_cast %add3A_413 : i32 to index
        %get3A_417 = arith.constant 16 : index
        %get3A_418 = tpu.vector_load %arg6[%get3A_415, %get3A_416, %get3A_417] {strides = array<i32>} : memref<2x200x32xf32, #tpu.memory_space<vmem>>, vector<16xf32>,
        %bitcast3A_419 = vector.bitcast %get3A_418 : vector<16xf32> to vector<32xbf16>
        %max3A_420 = arith.maximumf %scan3A_398, %bitcast3A_419 : vector<32xbf16>
        %add3A_421 = arith.constant 1 : i32
        %add3A_422 = arith.addi %add3A_402, %add3A_421 : i32
        %get3A_423 = arith.constant 1 : i32
        %get3A_424 = arith.index_cast %get3A_423 : i32 to index
        %get3A_425 = arith.index_cast %add3A_422 : i32 to index
        %get3A_426 = arith.constant 0 : index
        %get3A_427 = tpu.vector_load %arg6[%get3A_424, %get3A_425, %get3A_426] {strides = array<i32>} : memref<2x200x32xf32, #tpu.memory_space<vmem>>, vector<16xf32>,
        %bitcast3A_428 = vector.bitcast %get3A_427 : vector<16xf32> to vector<32xbf16>
        %max3A_429 = arith.maximumf %max3A_411, %bitcast3A_428 : vector<32xbf16>
        %add3A_430 = arith.constant 1 : i32
        %add3A_431 = arith.addi %add3A_402, %add3A_430 : i32
        %get3A_432 = arith.constant 1 : i32
        %get3A_433 = arith.index_cast %get3A_432 : i32 to index
        %get3A_434 = arith.index_cast %add3A_431 : i32 to index
        %get3A_435 = arith.constant 16 : index
        %get3A_436 = tpu.vector_load %arg6[%get3A_433, %get3A_434, %get3A_435] {strides = array<i32>} : memref<2x200x32xf32, #tpu.memory_space<vmem>>, vector<16xf32>,
        %bitcast3A_437 = vector.bitcast %get3A_436 : vector<16xf32> to vector<32xbf16>
        %max3A_438 = arith.maximumf %max3A_420, %bitcast3A_437 : vector<32xbf16>
        %add3A_439 = arith.constant 2 : i32
        %add3A_440 = arith.addi %add3A_402, %add3A_439 : i32
        %get3A_441 = arith.constant 1 : i32
        %get3A_442 = arith.index_cast %get3A_441 : i32 to index
        %get3A_443 = arith.index_cast %add3A_440 : i32 to index
        %get3A_444 = arith.constant 0 : index
        %get3A_445 = tpu.vector_load %arg6[%get3A_442, %get3A_443, %get3A_444] {strides = array<i32>} : memref<2x200x32xf32, #tpu.memory_space<vmem>>, vector<16xf32>,
        %bitcast3A_446 = vector.bitcast %get3A_445 : vector<16xf32> to vector<32xbf16>
        %max3A_447 = arith.maximumf %max3A_429, %bitcast3A_446 : vector<32xbf16>
        %add3A_448 = arith.constant 2 : i32
        %add3A_449 = arith.addi %add3A_402, %add3A_448 : i32
        %get3A_450 = arith.constant 1 : i32
        %get3A_451 = arith.index_cast %get3A_450 : i32 to index
        %get3A_452 = arith.index_cast %add3A_449 : i32 to index
        %get3A_453 = arith.constant 16 : index
        %get3A_454 = tpu.vector_load %arg6[%get3A_451, %get3A_452, %get3A_453] {strides = array<i32>} : memref<2x200x32xf32, #tpu.memory_space<vmem>>, vector<16xf32>,
        %bitcast3A_455 = vector.bitcast %get3A_454 : vector<16xf32> to vector<32xbf16>
        %max3A_456 = arith.maximumf %max3A_438, %bitcast3A_455 : vector<32xbf16>
        %add3A_457 = arith.constant 3 : i32
        %add3A_458 = arith.addi %add3A_402, %add3A_457 : i32
        %get3A_459 = arith.constant 1 : i32
        %get3A_460 = arith.index_cast %get3A_459 : i32 to index
        %get3A_461 = arith.index_cast %add3A_458 : i32 to index
        %get3A_462 = arith.constant 0 : index
        %get3A_463 = tpu.vector_load %arg6[%get3A_460, %get3A_461, %get3A_462] {strides = array<i32>} : memref<2x200x32xf32, #tpu.memory_space<vmem>>, vector<16xf32>,
        %bitcast3A_464 = vector.bitcast %get3A_463 : vector<16xf32> to vector<32xbf16>
        %max3A_465 = arith.maximumf %max3A_447, %bitcast3A_464 : vector<32xbf16>
        %add3A_466 = arith.constant 3 : i32
        %add3A_467 = arith.addi %add3A_402, %add3A_466 : i32
        %get3A_468 = arith.constant 1 : i32
        %get3A_469 = arith.index_cast %get3A_468 : i32 to index
        %get3A_470 = arith.index_cast %add3A_467 : i32 to index
        %get3A_471 = arith.constant 16 : index
        %get3A_472 = tpu.vector_load %arg6[%get3A_469, %get3A_470, %get3A_471] {strides = array<i32>} : memref<2x200x32xf32, #tpu.memory_space<vmem>>, vector<16xf32>,
        %bitcast3A_473 = vector.bitcast %get3A_472 : vector<16xf32> to vector<32xbf16>
        %max3A_474 = arith.maximumf %max3A_456, %bitcast3A_473 : vector<32xbf16>
        %add3A_475 = arith.constant 4 : i32
        %add3A_476 = arith.addi %add3A_402, %add3A_475 : i32
        %get3A_477 = arith.constant 1 : i32
        %get3A_478 = arith.index_cast %get3A_477 : i32 to index
        %get3A_479 = arith.index_cast %add3A_476 : i32 to index
        %get3A_480 = arith.constant 0 : index
        %get3A_481 = tpu.vector_load %arg6[%get3A_478, %get3A_479, %get3A_480] {strides = array<i32>} : memref<2x200x32xf32, #tpu.memory_space<vmem>>, vector<16xf32>,
        %bitcast3A_482 = vector.bitcast %get3A_481 : vector<16xf32> to vector<32xbf16>
        %max3A_483 = arith.maximumf %max3A_465, %bitcast3A_482 : vector<32xbf16>
        %add3A_484 = arith.constant 4 : i32
        %add3A_485 = arith.addi %add3A_402, %add3A_484 : i32
        %get3A_486 = arith.constant 1 : i32
        %get3A_487 = arith.index_cast %get3A_486 : i32 to index
        %get3A_488 = arith.index_cast %add3A_485 : i32 to index
        %get3A_489 = arith.constant 16 : index
        %get3A_490 = tpu.vector_load %arg6[%get3A_487, %get3A_488, %get3A_489] {strides = array<i32>} : memref<2x200x32xf32, #tpu.memory_space<vmem>>, vector<16xf32>,
        %bitcast3A_491 = vector.bitcast %get3A_490 : vector<16xf32> to vector<32xbf16>
        %max3A_492 = arith.maximumf %max3A_474, %bitcast3A_491 : vector<32xbf16>
        %add3A_493 = arith.constant 5 : i32
        %add3A_494 = arith.addi %add3A_402, %add3A_493 : i32
        %get3A_495 = arith.constant 1 : i32
        %get3A_496 = arith.index_cast %get3A_495 : i32 to index
        %get3A_497 = arith.index_cast %add3A_494 : i32 to index
        %get3A_498 = arith.constant 0 : index
        %get3A_499 = tpu.vector_load %arg6[%get3A_496, %get3A_497, %get3A_498] {strides = array<i32>} : memref<2x200x32xf32, #tpu.memory_space<vmem>>, vector<16xf32>,
        %bitcast3A_500 = vector.bitcast %get3A_499 : vector<16xf32> to vector<32xbf16>
        %max3A_501 = arith.maximumf %max3A_483, %bitcast3A_500 : vector<32xbf16>
        %add3A_502 = arith.constant 5 : i32
        %add3A_503 = arith.addi %add3A_402, %add3A_502 : i32
        %get3A_504 = arith.constant 1 : i32
        %get3A_505 = arith.index_cast %get3A_504 : i32 to index
        %get3A_506 = arith.index_cast %add3A_503 : i32 to index
        %get3A_507 = arith.constant 16 : index
        %get3A_508 = tpu.vector_load %arg6[%get3A_505, %get3A_506, %get3A_507] {strides = array<i32>} : memref<2x200x32xf32, #tpu.memory_space<vmem>>, vector<16xf32>,
        %bitcast3A_509 = vector.bitcast %get3A_508 : vector<16xf32> to vector<32xbf16>
        %max3A_510 = arith.maximumf %max3A_492, %bitcast3A_509 : vector<32xbf16>
        %add3A_511 = arith.constant 6 : i32
        %add3A_512 = arith.addi %add3A_402, %add3A_511 : i32
        %get3A_513 = arith.constant 1 : i32
        %get3A_514 = arith.index_cast %get3A_513 : i32 to index
        %get3A_515 = arith.index_cast %add3A_512 : i32 to index
        %get3A_516 = arith.constant 0 : index
        %get3A_517 = tpu.vector_load %arg6[%get3A_514, %get3A_515, %get3A_516] {strides = array<i32>} : memref<2x200x32xf32, #tpu.memory_space<vmem>>, vector<16xf32>,
        %bitcast3A_518 = vector.bitcast %get3A_517 : vector<16xf32> to vector<32xbf16>
        %max3A_519 = arith.maximumf %max3A_501, %bitcast3A_518 : vector<32xbf16>
        %add3A_520 = arith.constant 6 : i32
        %add3A_521 = arith.addi %add3A_402, %add3A_520 : i32
        %get3A_522 = arith.constant 1 : i32
        %get3A_523 = arith.index_cast %get3A_522 : i32 to index
        %get3A_524 = arith.index_cast %add3A_521 : i32 to index
        %get3A_525 = arith.constant 16 : index
        %get3A_526 = tpu.vector_load %arg6[%get3A_523, %get3A_524, %get3A_525] {strides = array<i32>} : memref<2x200x32xf32, #tpu.memory_space<vmem>>, vector<16xf32>,
        %bitcast3A_527 = vector.bitcast %get3A_526 : vector<16xf32> to vector<32xbf16>
        %max3A_528 = arith.maximumf %max3A_510, %bitcast3A_527 : vector<32xbf16>
        %add3A_529 = arith.constant 7 : i32
        %add3A_530 = arith.addi %add3A_402, %add3A_529 : i32
        %get3A_531 = arith.constant 1 : i32
        %get3A_532 = arith.index_cast %get3A_531 : i32 to index
        %get3A_533 = arith.index_cast %add3A_530 : i32 to index
        %get3A_534 = arith.constant 0 : index
        %get3A_535 = tpu.vector_load %arg6[%get3A_532, %get3A_533, %get3A_534] {strides = array<i32>} : memref<2x200x32xf32, #tpu.memory_space<vmem>>, vector<16xf32>,
        %bitcast3A_536 = vector.bitcast %get3A_535 : vector<16xf32> to vector<32xbf16>
        %max3A_537 = arith.maximumf %max3A_519, %bitcast3A_536 : vector<32xbf16>
        %add3A_538 = arith.constant 7 : i32
        %add3A_539 = arith.addi %add3A_402, %add3A_538 : i32
        %get3A_540 = arith.constant 1 : i32
        %get3A_541 = arith.index_cast %get3A_540 : i32 to index
        %get3A_542 = arith.index_cast %add3A_539 : i32 to index
        %get3A_543 = arith.constant 16 : index
        %get3A_544 = tpu.vector_load %arg6[%get3A_541, %get3A_542, %get3A_543] {strides = array<i32>} : memref<2x200x32xf32, #tpu.memory_space<vmem>>, vector<16xf32>,
        %bitcast3A_545 = vector.bitcast %get3A_544 : vector<16xf32> to vector<32xbf16>
        %max3A_546 = arith.maximumf %max3A_528, %bitcast3A_545 : vector<32xbf16>
        scf.yield %max3A_537, %max3A_546 : vector<32xbf16>, vector<32xbf16>
      }
      %scan3A_379 = arith.constant 24 : i32
      %unpack3A_380 = tpu.unpack_subelements %scan3A_378#0, 0 {pack_format = #tpu.pack_format<interleaved>} : vector<32xbf16> -> vector<16xf32>
      %unpack3A_381 = tpu.unpack_subelements %scan3A_378#0, 1 {pack_format = #tpu.pack_format<interleaved>} : vector<32xbf16> -> vector<16xf32>
      %unpack3A_382 = tpu.unpack_subelements %scan3A_378#1, 0 {pack_format = #tpu.pack_format<interleaved>} : vector<32xbf16> -> vector<16xf32>
      %unpack3A_383 = tpu.unpack_subelements %scan3A_378#1, 1 {pack_format = #tpu.pack_format<interleaved>} : vector<32xbf16> -> vector<16xf32>
      %swap3A_384 = arith.index_cast %add3A_247 : i32 to index
      %swap3A_385 = arith.constant 0 : index
      %swap3A_386 = tpu.vector_load %arg7[%swap3A_384, %swap3A_385] {strides = array<i32>} : memref<128x64xf32, #tpu.memory_space<vmem>>, vector<16xf32>,
      tpu.vector_store %arg7[%swap3A_384, %swap3A_385], %unpack3A_380 {strides = array<i32>} : memref<128x64xf32, #tpu.memory_space<vmem>>, vector<16xf32>,
      %swap3A_387 = arith.index_cast %add3A_247 : i32 to index
      %swap3A_388 = arith.constant 16 : index
      %swap3A_389 = tpu.vector_load %arg7[%swap3A_387, %swap3A_388] {strides = array<i32>} : memref<128x64xf32, #tpu.memory_space<vmem>>, vector<16xf32>,
      tpu.vector_store %arg7[%swap3A_387, %swap3A_388], %unpack3A_382 {strides = array<i32>} : memref<128x64xf32, #tpu.memory_space<vmem>>, vector<16xf32>,
      %swap3A_390 = arith.index_cast %add3A_247 : i32 to index
      %swap3A_391 = arith.constant 32 : index
      %swap3A_392 = tpu.vector_load %arg7[%swap3A_390, %swap3A_391] {strides = array<i32>} : memref<128x64xf32, #tpu.memory_space<vmem>>, vector<16xf32>,
      tpu.vector_store %arg7[%swap3A_390, %swap3A_391], %unpack3A_381 {strides = array<i32>} : memref<128x64xf32, #tpu.memory_space<vmem>>, vector<16xf32>,
      %swap3A_393 = arith.index_cast %add3A_247 : i32 to index
      %swap3A_394 = arith.constant 48 : index
      %swap3A_395 = tpu.vector_load %arg7[%swap3A_393, %swap3A_394] {strides = array<i32>} : memref<128x64xf32, #tpu.memory_space<vmem>>, vector<16xf32>,
      tpu.vector_store %arg7[%swap3A_393, %swap3A_394], %unpack3A_383 {strides = array<i32>} : memref<128x64xf32, #tpu.memory_space<vmem>>, vector<16xf32>,
    }
    %scan3A_32 = arith.constant 64 : i32
    %mul3A_33 = arith.constant 128 : i32
    %mul3A_34 = arith.muli %add3A, %mul3A_33 : i32
    "tpu.region"() ({
      %run_scoped3A = tpu.sem_alloc : memref<!tpu.dma_semaphore, #tpu.memory_space<semaphore_mem>>
      %dma_start3A_35 = arith.constant 0 : i32
      %dma_start3A_36 = tpu.memref_slice %arg4[%mul3A_34, %dma_start3A_35] : memref<4096x64xf32, #tpu.memory_space<hbm>> -> memref<128x64xf32, #tpu.memory_space<hbm>>
      %dma_start3A_37 = arith.constant 0 : i32
      %dma_start3A_38 = tpu.memref_slice %arg4[%mul3A_34, %dma_start3A_37] : memref<4096x64xf32, #tpu.memory_space<hbm>> -> memref<128x64xf32, #tpu.memory_space<hbm>>
      tpu.enqueue_dma source(%arg7 : memref<128x64xf32, #tpu.memory_space<vmem>>) target(%dma_start3A_38 : memref<128x64xf32, #tpu.memory_space<hbm>>) target_semaphore(%run_scoped3A : memref<!tpu.dma_semaphore, #tpu.memory_space<semaphore_mem>>)
      %dma_wait3A = arith.constant 0 : i32
      %dma_wait3A_39 = tpu.memref_slice %arg4[%mul3A_34, %dma_wait3A] : memref<4096x64xf32, #tpu.memory_space<hbm>> -> memref<128x64xf32, #tpu.memory_space<hbm>>
      %dma_wait3A_40 = arith.constant 0 : i32
      %dma_wait3A_41 = tpu.memref_slice %arg4[%mul3A_34, %dma_wait3A_40] : memref<4096x64xf32, #tpu.memory_space<hbm>> -> memref<128x64xf32, #tpu.memory_space<hbm>>
      tpu.wait_dma2 semaphore(%run_scoped3A : memref<!tpu.dma_semaphore, #tpu.memory_space<semaphore_mem>>) src(%arg7 : memref<128x64xf32, #tpu.memory_space<vmem>>) dst(%dma_wait3A_41 : memref<128x64xf32, #tpu.memory_space<hbm>>)
      tpu.yield
    }) : () -> ()
    return
  }
}

module attributes {stable_mosaic.version = 14 : i64} {
  func.func @_tc_transform_body(%arg0: i32, %arg1: memref<64x8192xf32, #tpu.memory_space<vmem>>, %arg2: memref<256x256xbf16, #tpu.memory_space<vmem>>, %arg3: memref<1x256xf32, #tpu.memory_space<vmem>>, %arg4: memref<2048x128xf32, #tpu.memory_space<vmem>>) attributes {dimension_semantics = [#tpu.dimension_semantics<arbitrary>], iteration_bounds = array<i64: 123>, scalar_prefetch = 0 : i64, scratch_operands = 0 : i64, tpu.core_type = #tpu.core_type<tc>, window_params = [{transform_indices = @transform_0, window_bounds = array<i64: 64, 8192>}, {pipeline_mode = #tpu.pipeline_mode<synchronous>, transform_indices = @transform_1, window_bounds = array<i64: 256, 256>}, {pipeline_mode = #tpu.pipeline_mode<synchronous>, transform_indices = @transform_2, window_bounds = array<i64: 1, 256>}, {transform_indices = @transform_3, window_bounds = array<i64: 2048, 128>}]} {
    %get3A = arith.constant 0 : index
    %get3A_0 = arith.constant 0 : index
    %get3A_1 = vector.load %arg1[%get3A, %get3A_0] : memref<64x8192xf32, #tpu.memory_space<vmem>>, vector<64x8192xf32>
    %convert_element_type3A = arith.truncf %get3A_1 : vector<64x8192xf32> to vector<64x8192xbf16>
    %slice3A = vector.extract_strided_slice %convert_element_type3A {offsets = [0, 0], sizes = [64, 2048], strides = [1, 1]} : vector<64x8192xbf16> to vector<64x2048xbf16>
    %slice3A_2 = vector.extract_strided_slice %convert_element_type3A {offsets = [0, 2048], sizes = [64, 2048], strides = [1, 1]} : vector<64x8192xbf16> to vector<64x2048xbf16>
    %slice3A_3 = vector.extract_strided_slice %convert_element_type3A {offsets = [0, 4096], sizes = [64, 2048], strides = [1, 1]} : vector<64x8192xbf16> to vector<64x2048xbf16>
    %slice3A_4 = vector.extract_strided_slice %convert_element_type3A {offsets = [0, 6144], sizes = [64, 2048], strides = [1, 1]} : vector<64x8192xbf16> to vector<64x2048xbf16>
    %concatenate3A = tpu.concatenate %slice3A, %slice3A_2, %slice3A_3, %slice3A_4 in 0 : vector<64x2048xbf16>, vector<64x2048xbf16>, vector<64x2048xbf16>, vector<64x2048xbf16> -> vector<256x2048xbf16>
    %get3A_5 = arith.constant 0 : index
    %get3A_6 = arith.constant 0 : index
    %get3A_7 = vector.load %arg2[%get3A_5, %get3A_6] : memref<256x256xbf16, #tpu.memory_space<vmem>>, vector<256x256xbf16>
    %dot_general3A = arith.constant dense<0.000000e+00> : vector<2048x256xf32>
    %dot_general3A_8 = tpu.matmul %concatenate3A, %get3A_7, %dot_general3A {dimension_numbers = #tpu.dot_dimension_numbers<[0], [1], [1], [0], [0, 1, 1, 0], [], []>, transpose_lhs_hint = false} : vector<256x2048xbf16>, vector<256x256xbf16>, vector<2048x256xf32> -> vector<2048x256xf32>
    %get3A_9 = arith.constant 0 : index
    %get3A_10 = arith.constant 0 : index
    %get3A_11 = vector.load %arg3[%get3A_9, %get3A_10] : memref<1x256xf32, #tpu.memory_space<vmem>>, vector<1x256xf32>
    %add3A = vector.broadcast %get3A_11 : vector<1x256xf32> to vector<2048x256xf32>
    %add3A_12 = arith.addf %dot_general3A_8, %add3A : vector<2048x256xf32>
    %slice3A_13 = vector.extract_strided_slice %add3A_12 {offsets = [0, 0], sizes = [2048, 128], strides = [1, 1]} : vector<2048x256xf32> to vector<2048x128xf32>
    %slice3A_14 = vector.extract_strided_slice %add3A_12 {offsets = [0, 128], sizes = [2048, 128], strides = [1, 1]} : vector<2048x256xf32> to vector<2048x128xf32>
    %convert_element_type3A_15 = arith.truncf %slice3A_13 : vector<2048x128xf32> to vector<2048x128xbf16>
    %bitcast_convert_type3A = tpu.bitcast %convert_element_type3A_15 : vector<2048x128xbf16> -> vector<2048x128xi16>
    %convert_element_type3A_16 = arith.truncf %slice3A_14 : vector<2048x128xf32> to vector<2048x128xbf16>
    %bitcast_convert_type3A_17 = tpu.bitcast %convert_element_type3A_16 : vector<2048x128xbf16> -> vector<2048x128xi16>
    %convert_element_type3A_18 = arith.extui %bitcast_convert_type3A : vector<2048x128xi16> to vector<2048x128xi32>
    %convert_element_type3A_19 = arith.extui %bitcast_convert_type3A_17 : vector<2048x128xi16> to vector<2048x128xi32>
    %shift_left3A = arith.constant 16 : i32
    %shift_left3A_20 = vector.broadcast %shift_left3A : i32 to vector<2048x128xi32>
    %shift_left3A_21 = arith.shli %convert_element_type3A_19, %shift_left3A_20 : vector<2048x128xi32>
    %or3A = arith.ori %convert_element_type3A_18, %shift_left3A_21 : vector<2048x128xi32>
    %bitcast_convert_type3A_22 = tpu.bitcast %or3A : vector<2048x128xi32> -> vector<2048x128xf32>
    %swap3A = arith.constant 0 : index
    %swap3A_23 = arith.constant 0 : index
    %swap3A_24 = vector.load %arg4[%swap3A, %swap3A_23] : memref<2048x128xf32, #tpu.memory_space<vmem>>, vector<2048x128xf32>
    tpu.vector_store %arg4[%swap3A, %swap3A_23], %bitcast_convert_type3A_22 {strides = array<i32>} : memref<2048x128xf32, #tpu.memory_space<vmem>>, vector<2048x128xf32>,
    return
  }
  func.func @transform_0(%arg0: i32) -> (i32, i32) {
    %c0_i32 = arith.constant 0 : i32
    %c0_i32_0 = arith.constant 0 : i32
    return %c0_i32, %arg0 : i32, i32
  }
  func.func @transform_1(%arg0: i32) -> (i32, i32) {
    %c0_i32 = arith.constant 0 : i32
    %c0_i32_0 = arith.constant 0 : i32
    %c0_i32_1 = arith.constant 0 : i32
    return %c0_i32, %c0_i32_0 : i32, i32
  }
  func.func @transform_2(%arg0: i32) -> (i32, i32) {
    %c0_i32 = arith.constant 0 : i32
    %c0_i32_0 = arith.constant 0 : i32
    %c0_i32_1 = arith.constant 0 : i32
    return %c0_i32, %c0_i32_0 : i32, i32
  }
  func.func @transform_3(%arg0: i32) -> (i32, i32) {
    %c0_i32 = arith.constant 0 : i32
    %c0_i32_0 = arith.constant 0 : i32
    return %arg0, %c0_i32 : i32, i32
  }
}

</mosaic_0001>

<sc_bundles>
// kernel: kernel.4.cloned.1.call-start
scs
__scs_entry_jumppad:
0x0: {  	(pc) =	sbr.rel $0x88, $3  }
0x1: {  	(tag) =	ssettag $0x0;
	lr =	simm.s32 $0x1  }
0x2: {  	[smem:$0x3F9D] =	sst lr;
	_ =	strace $0xD0000000  }
0x3: {  	_ = 	snop  }
0x4: {  	_ = 	snop  }
0x5: {  	_ = 	snop  }
0x6: {  	_ = 	snop  }
0x7: {  	_ = 	snop  }
__scs_overlays_trampoline_lowered:
0x8: {  	[smem:$0x3FAC] =	sst s0  }
0x9: {  	[smem:$0x3FAD] =	sst s1  }
0xa: {  	[smem:$0x3FAE] =	sst s2  }
0xb: {  	[smem:$0x3FAF] =	sst s3  }
0xc: {  	[smem:$0x3FB0] =	sst s4  }
0xd: {  	[smem:$0x3FB1] =	sst s5  }
0xe: {  	[smem:$0x3FB2] =	sst s6  }
0xf: {  	[smem:$0x3FB3] =	sst s7  }
0x10: {  	[smem:$0x3FB4] =	sst s8  }
0x11: {  	[smem:$0x3FB5] =	sst s9;
	s0 =	simm.s32 @!p0 $0x0  }
0x12: {  	s1 =	sld [smem:$0x3F9B];
	s0 =	simm.s32 @p0 $0x1  }
0x13: {  	[smem:$0x3FB6] =	sst s0;
	s0 =	simm.s32 @!p1 $0x0  }
0x14: {  	s2 =	sld [smem:$0x3F9A];
	s0 =	simm.s32 @p1 $0x1  }
0x15: {  	[smem:$0x3FB7] =	sst s0;
	s0 =	simm.s32 @!p2 $0x0  }
0x16: {  	s3 =	sld [smem:$0x3FDB];
	s0 =	simm.s32 @p2 $0x1  }
0x17: {  	s4 =	simm.s32 $0x1BF5;
	[smem:$0x3FB9] =	sst s0  }
0x18: {  	s0 =	sld [smem:$0x3F9C];
	_ =	swait.ge [sflag:s4], $0x0  }
0x19: {  	s7 =	sld [smem:$0x3F9D]  }
0x1a: {  	s8 =	sadd.s32 $0xFFFFE003, lr  }
0x1b: {  	s9 =	sadd.s32 $0xFFFFFEF7, lr;
	s5 =	simm.s32 $0xFFFFFFFF;
	p2 =	slt.u32 s8, $0xFFFFF086  }
0x1c: {  	p1 =	slt.u32 s9, $0xF7A;
	s5 =	simm.s32 @!p2 $0x0  }
0x1d: {  	s5 =	simm.s32 @p1 $0x1;
	p0 =	seq.s32 s7, s2  }
0x1e: {  	s7 =	smul.u32 @!p0 $0xF7A, s2;
	p2 =	seq.s32 @!p0 s5, $0x0  }
0x1f: {  	s9 =	smul.u32 $0xF7A, s1;
	s8 =	simm.s32 @!p0 $0x1BF5;
	p2 =	por !p2, p0  }
0x20: {  	[sflag:s8] =	ssyncset.s32 @!p0 $0xFFFFF086;
	s6 =	sadd.s32 @!p0 s3, s7;
	s7 =	simm.s32 @!p0 $0x108  }
0x21: {  	s3 =	sadd.s32 s3, s9;
	s6 =	sadd.s32 @!p0 $0x88, s6;
	s7 =	simm.s32 @p2 $0x1082  }
0x22: {  	[simem:s7], [sflag:s8] =	dma.local @!p0 [hbm:s6], $0xF7A  }
0x23: {  	s9 =	sor.u32 $0xD0000000, s2;
	s6 =	simm.s32 $0x108;
	_ =	swait.ge @!p0 [sflag:s8], $0x0  }
0x24: {  	s3 =	sadd.s32 $0x88, s3;
	s6 =	simm.s32 @!p1 $0x1082;
	[sflag:s4] =	ssyncset.s32 $0xFFFFF086  }
0x25: {  	[simem:s6], [sflag:s4] =	dma.local [hbm:s3], $0xF7A  }
0x26: {  	[smem:$0x3F9D] =	sst s1;
	(tag) =	ssettag s2;
	_ =	strace s9  }
0x27: {  	s1 =	sld [smem:$0x3FAD]  }
0x28: {  	s2 =	sld [smem:$0x3FAE]  }
0x29: {  	s4 =	sld [smem:$0x3FB0]  }
0x2a: {  	p0 =	seq.s32 s5, $0x0;
	s5 =	sld [smem:$0x3FB1]  }
0x2b: {  	s6 =	sld [smem:$0x3FB2]  }
0x2c: {  	s7 =	sld [smem:$0x3FB3]  }
0x2d: {  	s3 =	simm.s32 $0x108;
	s8 =	sld [smem:$0x3FB4]  }
0x2e: {  	s3 =	simm.s32 @!p0 $0x1082;
	s9 =	sld [smem:$0x3FB5]  }
0x2f: {  	lr =	sadd.s32 s0, s3;
	s0 =	sld [smem:$0x3FAC]  }
0x30: {  	s3 =	sld [smem:$0x3FAF]  }
0x31: {  	[smem:$0x3FB8] =	sst s10  }
0x32: {  	s10 =	sld [smem:$0x3FB6];
	_ =	sdelay $0x3  }
0x33: {  	p0 =	seq.s32 s10, $0x1;
	s10 =	sld [smem:$0x3FB8];
	_ =	sdelay $0x3  }
0x34: {  	[smem:$0x3FB8] =	sst s10  }
0x35: {  	s10 =	sld [smem:$0x3FB7];
	_ =	sdelay $0x3  }
0x36: {  	p1 =	seq.s32 s10, $0x1;
	s10 =	sld [smem:$0x3FB8];
	_ =	sdelay $0x3  }
0x37: {  	[smem:$0x3FB8] =	sst s10  }
0x38: {  	s10 =	sld [smem:$0x3FB9]  }
0x39: {  	_ = 	snop;
	(pc) =	sbr.ind lr, $3  }
0x3a: {  	_ = 	snop  }
0x3b: {  	_ = 	snop  }
0x3c: {  	p2 =	seq.s32 s10, $0x1;
	s10 =	sld [smem:$0x3FB8]  }
0x3d: {  	_ =	shalt  }
0x3e: {  	_ =	shalt  }
0x3f: {  	_ =	shalt  }
0x40: {  	_ =	shalt  }
0x41: {  	_ =	shalt  }
0x42: {  	_ =	shalt  }
0x43: {  	_ =	shalt  }
0x44: {  	_ =	shalt  }
0x45: {  	_ =	shalt  }
0x46: {  	_ =	shalt  }
0x47: {  	_ =	shalt  }
0x48: {  	_ =	shalt  }
0x49: {  	_ =	shalt  }
0x4a: {  	_ =	shalt  }
0x4b: {  	_ =	shalt  }
0x4c: {  	_ =	shalt  }
0x4d: {  	_ =	shalt  }
0x4e: {  	_ =	shalt  }
0x4f: {  	_ =	shalt  }
0x50: {  	_ =	shalt  }
0x51: {  	_ =	shalt  }
0x52: {  	_ =	shalt  }
0x53: {  	_ =	shalt  }
0x54: {  	_ =	shalt  }
0x55: {  	_ =	shalt  }
0x56: {  	_ =	shalt  }
0x57: {  	_ =	shalt  }
0x58: {  	_ =	shalt  }
0x59: {  	_ =	shalt  }
0x5a: {  	_ =	shalt  }
0x5b: {  	_ =	shalt  }
0x5c: {  	_ =	shalt  }
0x5d: {  	_ =	shalt  }
0x5e: {  	_ =	shalt  }
0x5f: {  	_ =	shalt  }
0x60: {  	_ =	shalt  }
0x61: {  	_ =	shalt  }
0x62: {  	_ =	shalt  }
0x63: {  	_ =	shalt  }
0x64: {  	_ =	shalt  }
0x65: {  	_ =	shalt  }
0x66: {  	_ =	shalt  }
0x67: {  	_ =	shalt  }
0x68: {  	_ =	shalt  }
0x69: {  	_ =	shalt  }
0x6a: {  	_ =	shalt  }
0x6b: {  	_ =	shalt  }
0x6c: {  	_ =	shalt  }
0x6d: {  	_ =	shalt  }
0x6e: {  	_ =	shalt  }
0x6f: {  	_ =	shalt  }
0x70: {  	_ =	shalt  }
0x71: {  	_ =	shalt  }
0x72: {  	_ =	shalt  }
0x73: {  	_ =	shalt  }
0x74: {  	_ =	shalt  }
0x75: {  	_ =	shalt  }
0x76: {  	_ =	shalt  }
0x77: {  	_ =	shalt  }
0x78: {  	_ =	shalt  }
0x79: {  	_ =	shalt  }
0x7a: {  	_ =	shalt  }
0x7b: {  	_ =	shalt  }
0x7c: {  	_ =	shalt  }
0x7d: {  	_ =	shalt  }
0x7e: {  	_ =	shalt  }
0x7f: {  	_ =	shalt  }
0x80: {  	_ =	shalt  }
0x81: {  	_ =	shalt  }
0x82: {  	_ =	shalt  }
0x83: {  	_ =	shalt  }
0x84: {  	_ =	shalt  }
0x85: {  	_ =	shalt  }
0x86: {  	_ =	shalt  }
0x87: {  	_ =	shalt  }
.Lfunc_end0:
.L_simem_size_0:
called_computation_lowered:
.L_overlay_start_0:
0x88: {  	s2 =	sld [smem:$0x3FD9]  }
0x89: {  	s3 =	sld [smem:$0x3FFE];
	_ =	sdelay $0x1  }
0x8a: {  	s1 =	srdreg.scid  }
0x8b: {  	s0 =	sand.u32 $0x1, s1  }
0x8c: {  	s17 =	sshll.u32 s0, $0xA;
	s2 =	sadd.s32 s3, s2  }
0x8d: {  	s2 =	sadd.s32 s2, s17  }
0x8e: {  	[smem:$0x3FC4] =	sst s2  }
0x8f: {  	_ = 	snop  }
0x90: {  	s2 =	sld [smem:$0x3FD0];
	(tm) =	ssettm $0x1  }
0x91: {  	s18 =	sld [smem:$0x3FFB];
	_ =	sdelay $0x3  }
0x92: {  	_ =	strace s18  }
0x93: {  	s3 =	sld [smem:$0x3FFC];
	_ =	sdelay $0x3  }
0x94: {  	_ =	strace s3  }
0x95: {  	s3 =	sld [smem:$0x3FFD];
	_ =	sdelay $0x3  }
0x96: {  	_ =	strace s3  }
0x97: {  	_ =	strace $0x8FFFFFFF  }
0x98: {  	s19 =	sld [smem:$0x3FDB];
	_ =	sdelay $0x1  }
0x99: {  	s4 =	simm.s32 $_scs_section_size  }
0x9a: {  	s5 =	simm.s32 $_size__tile_overlayer_lowered;
	s6 =	simm.s32 $_tile_overlayer_lowered  }
0x9b: {  	s22 =	simm.s32 $0x1BFF;
	s21 =	sshll.u32 s6, $0x1;
	s3 =	sadd.s32 s4, s19  }
0x9c: {  	s7 =	simm.s32 $0x0;
	s20 =	sshll.u32 s5, $0x1;
	s5 =	sadd.s32 s21, s3  }
0x9d: {  	[timem:s7], [sflag:s22] =	dma.local [hbm:s5], s20  }
0x9e: {  	_ =	swait.ge [sflag:s22], s20  }
0x9f: {  	s4 =	ssub.s32 $0x0, s20;
	[sflag:s22] =	ssyncset.done $0x0  }
0xa0: {  	[sflag:s22] =	ssyncadd.s32 s4;
	_ =	sdelay $0x1  }
0xa1: {  	s23 =	simm.s32 $0x1B8B  }
0xa2: {  	_ =	swait.ge [sflag:s23], $0x1  }
0xa3: {  	[sflag:s23] =	ssyncset.done $0x0  }
0xa4: {  	s25 =	simm.s32 $0x1B8E;
	s24 =	sld [smem:$0x3FFE];
	[sflag:s23] =	ssyncadd.s32 $0xFFFFFFFF  }
0xa5: {  	s26 =	simm.s32 $execute0_lowered;
	[smem:$0x3FD2] =	sst s25  }
0xa6: {  	s5 =	sshll.u32 s26, $0x1;
	_ =	strace $0x80000046;
	[dreg:$0x1] =	wrdreg $0xFFFFFFFF  }
0xa7: {  	s28 =	simm.s32 $_size_execute0_lowered;
	s3 =	sadd.s32 s3, s5;
	[dreg:$0x0] =	wrdreg $0x0  }
0xa8: {  	s5 =	sshll.u32 s28, $0x1;
	[dreg:$0x2] =	wrdreg s3  }
0xa9: {  	[dreg:$0x3] =	wrdreg s5  }
0xaa: {  	[dreg:$0x4] =	wrdreg $0xC0  }
0xab: {  	_ =	task [dreg:s7], $0x5FFFF  }
0xac: {  	[dreg:$0x1] =	wrdreg $0xFFFFFFFF  }
0xad: {  	[dreg:$0x0] =	wrdreg $0x60  }
0xae: {  	[dreg:$0x2] =	wrdreg s24  }
0xaf: {  	[dreg:$0x3] =	wrdreg s2  }
0xb0: {  	[dreg:$0x4] =	wrdreg $0x9  }
0xb1: {  	_ =	task.clear_ibuf [dreg:s7], $0x5FFFF;
	_ =	strace $0x90000046  }
0xb2: {  	s29 =	simm.s32 $0x9;
	_ =	strace $0x80000048  }
0xb3: {  	_ =	swait.ge [sflag:s29], $0x1  }
0xb4: {  	[sflag:s29] =	ssyncadd.s32 $0xFFFFFFFF  }
0xb5: {  	_ =	strace $0x90000048  }
0xb6: {  	_ =	sfence  }
0xb7: {  	s30 =	sld [smem:$0x0];
	_ =	sdelay $0x2  }
0xb8: {  	s31 =	sshll.u32 s1, $0xD;
	s1 =	sshrl.u32 s1, $0x2  }
0xb9: {  	s3 =	sand.u32 $0x4000, s31;
	s1 =	sadd.s32 s1, s30  }
0xba: {  	s0 =	sor.u32 s3, s0;
	s1 =	sshll.u32 s1, $0x11  }
0xbb: {  	s0 =	sor.u32 s1, s0  }
0xbc: {  	s0 =	sadd.s32 $0x8F2B, s0  }
0xbd: {  	[sflag:s0] =	ssyncadd.remote.s32 $0x1  }
0xbe: {  	_ =	sfence.sel $0xFFFF  }
0xbf: {  	[dreg:$0x0] =	wrdreg $0xFFFFFFFF;
	(pc) =	sbr.abs _section_cstart, $3  }
0xc0: {  	[dreg:$0x1] =	wrdreg $0xFFFFFFFF  }
0xc1: {  	_ =	task.clear_ibuf [dreg:s7], $0x2FFFF;
	_ =	strace $0x9FFFFFFF  }
0xc2: {  	(tm) =	ssettm $0x7FFFFFFF  }
0xc3: {  	_ =	shalt  }
tec
execute0_lowered:
.L_overlay_start_1:
0x0: {  	(tag) =	ssettag $0x1  }
0x1: {  	s1 =	srdreg.scid;
	s3 =	rddreg [dreg:$0x0]  }
0x2: {  	s0 =	stileid.u32;
	s5 =	rddreg [dreg:$0x1];
	s2 =	simm.s32 $0x0  }
0x3: {  	s9 =	simm.s32 $0x6400;
	s10 =	simm.s32 $0x48;
	s11 =	simm.s32 $0x7400  }
0x4: {  	s12 =	simm.s32 $0x7D00;
	s13 =	simm.s32 $0x8D00;
	s14 =	simm.s32 $0x1  }
0x5: {  	s15 =	simm.s32 $0x2;
	s16 =	simm.s32 $0x9600;
	s17 =	simm.s32 $0x0  }
0x6: {  	s4 =	sand.u32 $0x1, s1;
	s31 =	sshll.u32 s0, $0x1;
	s1 =	rddreg [dreg:$0x2]  }
0x7: {  	[smem:$0x7FF] =	sst s2;
	s6 =	sor.u32 s4, s31;
	s4 =	ssub.s32 $0x2, s4  }
0x8: {  	s7 =	smul.u32 $0xC80, s6;
	s8 =	sshrl.u32 s4, $0x1;
	s6 =	sshll.u32 s6, $0xA  }
0x9: {  	_ =	strace $0x80000047;
	s8 =	ssub.s32 s4, s8;
	s5 =	sadd.s32 s5, s6  }
0xa: {  	s7 =	sadd.s32 s7, s3;
	s3 =	sadd.s32 $0x19A00, s3;
	s6 =	smax.u32 s8, $0x1  }
0xb: {  	s8 =	simm.s32 $0x80;
	s4 =	sadd.s32 $0xA00, s7;
	s7 =	simm.s32 $0x3  }
.LBB2_1:
0xc: {  	[tilespmem:s2], [sflag:$0x3] =	stream.linear.gather [hbm4b:s4+s2], $0x6400, $0x38;
	[tilespmem:$0xB600] =	vst v63  }
0xd: {  	_ =	swait.ge [sflag:s7], $0x6400  }
0xe: {  	[sflag:s7] =	ssyncset.done $0x0  }
0xf: {  	s18 =	simm.s32 $0x0;
	s19 =	simm.s32 $0x40;
	[sflag:s7] =	ssyncadd.s32 $0xFFFF9C00  }
.LBB2_2:
0x10: {  	p0 =	sne.s32 s19, $0x18FC0;
	v0 =	vld [tilespmem:s18+$0x0];
	_ =	sdelay $0x4  }
.Ltmp0:
0x11: {  	v1 =	vshll.u32 v0, $0x2;
	(pc) =	sbr.rel @p0 .LBB2_2-.Ltmp0, $4  }
0x12: {  	v2 =	vshrl.u32 v0, $0xB;
	v0 =	vand.u32 $0xFFFFE000, v0;
	v1 =	vand.u32 $0x1FFC, v1  }
0x13: {  	v2 =	vand.u32 $0x3, v2;
	v0 =	vor.u32 v0, v1  }
0x14: {  	v0 =	vor.u32 v2, v0  }
0x15: {  	[tilespmem:s18+$0x0] =	vst v0;
	s18 =	sshra.s32 s19, $0x2;
	s19 =	sadd.s32 $0x40, s19  }
0x16: {  	v0 =	vld [tilespmem:s18+$0x0];
	_ =	sdelay $0x4  }
0x17: {  	v1 =	vshll.u32 v0, $0x2  }
0x18: {  	v2 =	vshrl.u32 v0, $0xB;
	v0 =	vand.u32 $0xFFFFE000, v0;
	v1 =	vand.u32 $0x1FFC, v1  }
0x19: {  	v2 =	vand.u32 $0x3, v2;
	v0 =	vor.u32 v0, v1  }
0x1a: {  	v0 =	vor.u32 v2, v0  }
0x1b: {  	s19 =	simm.s32 $0x0;
	[tilespmem:s18+$0x0] =	vst v0  }
0x1c: {  	[tilespmem:s9], [sflag:$0x1] =	stream.indirect.gather [hbm4b:s3+s8], $0x20, s19, s8, $0xb8;
	[tilespmem:$0xB600] =	vst v63  }
0x1d: {  	_ = 	snop  }
0x1e: {  	[tilespmem:s11], [sflag:$0x1] =	stream.indirect.gather [hbm4b:s3+s10], $0x20, s8, s10, $0xb8;
	[tilespmem:$0xB600] =	vst v63  }
.LBB2_4:
0x1f: {  	s18 =	sshllo.u32 s19, $0x1  }
0x20: {  	s20 =	smul.u32 $0x320, s18;
	_ =	sdelay $0x1  }
0x21: {  	s20 =	sshra.s32 s20, $0x2  }
0x22: {  	[tilespmem:s12], [sflag:$0x2] =	stream.indirect.gather [hbm4b:s3+s8], $0x20, s20, s8, $0xb8;
	[tilespmem:$0xB600] =	vst v63  }
0x23: {  	s20 =	sadd.s32 $0x80, s20  }
0x24: {  	[tilespmem:s13], [sflag:$0x2] =	stream.indirect.gather [hbm4b:s3+s10], $0x20, s20, s10, $0xb8;
	[tilespmem:$0xB600] =	vst v63  }
0x25: {  	_ =	swait.ge [sflag:s14], $0x1000  }
0x26: {  	[sflag:s14] =	ssyncset.done $0x0  }
0x27: {  	[sflag:s14] =	ssyncadd.s32 $0xFFFFF000  }
0x28: {  	_ =	swait.ge [sflag:s14], $0x900  }
0x29: {  	[sflag:s14] =	ssyncset.done $0x0  }
0x2a: {  	[sflag:s14] =	ssyncadd.s32 $0xFFFFF700  }
0x2b: {  	v1 =	vld [tilespmem:$0x6400]  }
0x2c: {  	v2 =	vld [tilespmem:$0x6410]  }
0x2d: {  	v3 =	vld [tilespmem:$0x6420]  }
0x2e: {  	v4 =	vld [tilespmem:$0x6430]  }
0x2f: {  	v5 =	vld [tilespmem:$0x6440]  }
0x30: {  	v6 =	vld [tilespmem:$0x6450]  }
0x31: {  	v7 =	vld [tilespmem:$0x6460]  }
0x32: {  	v8 =	vld [tilespmem:$0x6470]  }
0x33: {  	v9 =	vld [tilespmem:$0x6480]  }
0x34: {  	v10 =	vld [tilespmem:$0x6490]  }
0x35: {  	v11 =	vld [tilespmem:$0x64A0]  }
0x36: {  	v12 =	vld [tilespmem:$0x64B0]  }
0x37: {  	v13 =	vld [tilespmem:$0x64C0]  }
0x38: {  	v14 =	vld [tilespmem:$0x64D0]  }
0x39: {  	v15 =	vld [tilespmem:$0x64E0]  }
0x3a: {  	s20 =	simm.s32 $0x1F0;
	v16 =	vld [tilespmem:$0x64F0]  }
0x3b: {  	v0 =	vld [tilespmem:s20+$0x63F0]  }
0x3c: {  	v1 =	vmax.bf16 v1, v3;
	v3 =	vmax.bf16 v2, v4;
	v2 =	vld [tilespmem:s20+$0x63D0]  }
0x3d: {  	v4 =	vmax.bf16 v1, v5;
	v3 =	vmax.bf16 v3, v6;
	v1 =	vld [tilespmem:s20+$0x63B0]  }
0x3e: {  	v4 =	vmax.bf16 v4, v7;
	v5 =	vmax.bf16 v3, v8;
	v3 =	vld [tilespmem:s20+$0x6390]  }
0x3f: {  	v6 =	vmax.bf16 v4, v9;
	v5 =	vmax.bf16 v5, v10;
	v4 =	vld [tilespmem:s20+$0x6370]  }
0x40: {  	v6 =	vmax.bf16 v6, v11;
	v7 =	vmax.bf16 v5, v12;
	v5 =	vld [tilespmem:s20+$0x6350]  }
0x41: {  	v8 =	vmax.bf16 v6, v13;
	v9 =	vmax.bf16 v7, v14;
	v6 =	vld [tilespmem:s20+$0x6330]  }
0x42: {  	s21 =	simm.s32 $0xBC0;
	v7 =	vmax.bf16 v8, v15;
	v8 =	vmax.bf16 v9, v16;
	v9 =	vld [tilespmem:s20+$0x6310]  }
.LBB2_5:
0x43: {  	p0 =	sne.s32 s21, $0x63C0;
	v10 =	vld [tilespmem:s20+$0x6320]  }
0x44: {  	v11 =	vld [tilespmem:s20+$0x6340]  }
0x45: {  	v12 =	vld [tilespmem:s20+$0x6360]  }
0x46: {  	v13 =	vld [tilespmem:s20+$0x6380]  }
0x47: {  	v14 =	vld [tilespmem:s20+$0x63A0]  }
0x48: {  	v7 =	vmax.bf16 v7, v9;
	v8 =	vmax.bf16 v8, v10;
	v9 =	vld [tilespmem:s20+$0x63C0]  }
0x49: {  	v6 =	vmax.bf16 v7, v6;
	v7 =	vmax.bf16 v8, v11;
	v8 =	vld [tilespmem:s20+$0x63E0]  }
0x4a: {  	v5 =	vmax.bf16 v6, v5;
	v6 =	vmax.bf16 v7, v12;
	v10 =	vld [tilespmem:s20+$0x6400];
	s20 =	sshra.s32 s21, $0x2  }
0x4b: {  	v4 =	vmax.bf16 v5, v4;
	v11 =	vld [tilespmem:s20+$0x63F0];
	v5 =	vmax.bf16 v6, v13  }
0x4c: {  	v3 =	vmax.bf16 v4, v3;
	v12 =	vld [tilespmem:s20+$0x63D0];
	v4 =	vmax.bf16 v5, v14  }
0x4d: {  	v5 =	vmax.bf16 v3, v1;
	v1 =	vld [tilespmem:s20+$0x63B0];
	v4 =	vmax.bf16 v4, v9  }
.Ltmp1:
0x4e: {  	v2 =	vmax.bf16 v5, v2;
	v3 =	vld [tilespmem:s20+$0x6390];
	v5 =	vmax.bf16 v4, v8;
	(pc) =	sbr.rel @p0 .LBB2_5-.Ltmp1, $4  }
0x4f: {  	v7 =	vmax.bf16 v2, v0;
	v4 =	vld [tilespmem:s20+$0x6370];
	v8 =	vmax.bf16 v5, v10  }
0x50: {  	v5 =	vld [tilespmem:s20+$0x6350];
	v0 =	vmov v11  }
0x51: {  	v6 =	vld [tilespmem:s20+$0x6330];
	v2 =	vmov v12  }
0x52: {  	s21 =	sadd.s32 $0x400, s21;
	v9 =	vld [tilespmem:s20+$0x6310]  }
0x53: {  	v10 =	vld [tilespmem:s20+$0x6320]  }
0x54: {  	v11 =	vld [tilespmem:s20+$0x6340]  }
0x55: {  	v12 =	vld [tilespmem:s20+$0x6360]  }
0x56: {  	v13 =	vld [tilespmem:s20+$0x6380]  }
0x57: {  	v14 =	vld [tilespmem:s20+$0x63A0];
	v7 =	vmax.bf16 v7, v9  }
0x58: {  	v9 =	vld [tilespmem:s20+$0x63C0];
	v8 =	vmax.bf16 v8, v10;
	v6 =	vmax.bf16 v7, v6  }
0x59: {  	v7 =	vmax.bf16 v8, v11;
	v8 =	vld [tilespmem:s20+$0x63E0];
	v5 =	vmax.bf16 v6, v5  }
0x5a: {  	v6 =	vmax.bf16 v7, v12;
	v7 =	vld [tilespmem:s20+$0x6400];
	v4 =	vmax.bf16 v5, v4  }
0x5b: {  	v5 =	vmax.bf16 v6, v13;
	v3 =	vmax.bf16 v4, v3  }
0x5c: {  	v4 =	vmax.bf16 v5, v14;
	v1 =	vmax.bf16 v3, v1  }
0x5d: {  	v3 =	vmax.bf16 v4, v9;
	v1 =	vmax.bf16 v1, v2  }
0x5e: {  	s31 =	sshll.u32 s19, $0x7;
	v2 =	vmax.bf16 v3, v8;
	v0 =	vmax.bf16 v1, v0  }
0x5f: {  	p0 =	seq.s32 s19, $0x3F;
	s20 =	sand.u32 $0x3FFFFF80, s31;
	v1 =	vmax.bf16 v2, v7;
	v2 =	vunpack.i.l.bf16.f32 v0  }
0x60: {  	s21 =	smul.u32 @!p0 $0x640, s19;
	v0 =	vunpack.i.u.bf16.f32 v0;
	[tilespmem:s20+$0x9600] =	vst v2  }
0x61: {  	v3 =	vunpack.i.l.bf16.f32 v1;
	[tilespmem:s20+$0x9620] =	vst v0  }
0x62: {  	s21 =	sshra.s32 @!p0 s21, $0x2;
	v1 =	vunpack.i.u.bf16.f32 v1;
	[tilespmem:s20+$0x9610] =	vst v3  }
0x63: {  	s22 =	simm.s32 @!p0 $0x80;
	s23 =	simm.s32 @!p0 $0x6400;
	[tilespmem:s20+$0x9630] =	vst v1;
	s20 =	sadd.s32 @!p0 $0x190, s21  }
0x64: {  	[tilespmem:s23], [sflag:$0x1] =	stream.indirect.gather @!p0 [hbm4b:s3+s22], $0x20, s20, s22, $0xb8;
	[tilespmem:$0xB600] =	vst v63  }
0x65: {  	s20 =	sadd.s32 @!p0 $0x210, s21;
	s21 =	simm.s32 @!p0 $0x48;
	s22 =	simm.s32 @!p0 $0x7400  }
0x66: {  	[tilespmem:s22], [sflag:$0x1] =	stream.indirect.gather @!p0 [hbm4b:s3+s21], $0x20, s20, s21, $0xb8;
	[tilespmem:$0xB600] =	vst v63  }
0x67: {  	_ =	swait.ge [sflag:s15], $0x1000  }
0x68: {  	[sflag:s15] =	ssyncset.done $0x0  }
0x69: {  	[sflag:s15] =	ssyncadd.s32 $0xFFFFF000  }
0x6a: {  	_ =	swait.ge [sflag:s15], $0x900  }
0x6b: {  	[sflag:s15] =	ssyncset.done $0x0  }
0x6c: {  	[sflag:s15] =	ssyncadd.s32 $0xFFFFF700  }
0x6d: {  	v1 =	vld [tilespmem:$0x7D00]  }
0x6e: {  	v2 =	vld [tilespmem:$0x7D10]  }
0x6f: {  	v3 =	vld [tilespmem:$0x7D20]  }
0x70: {  	v4 =	vld [tilespmem:$0x7D30]  }
0x71: {  	v5 =	vld [tilespmem:$0x7D40]  }
0x72: {  	v6 =	vld [tilespmem:$0x7D50]  }
0x73: {  	v7 =	vld [tilespmem:$0x7D60]  }
0x74: {  	v8 =	vld [tilespmem:$0x7D70]  }
0x75: {  	v9 =	vld [tilespmem:$0x7D80]  }
0x76: {  	v10 =	vld [tilespmem:$0x7D90]  }
0x77: {  	v11 =	vld [tilespmem:$0x7DA0]  }
0x78: {  	v61 =	vld [tilespmem:$0x7DB0]  }
0x79: {  	v62 =	vld [tilespmem:$0x7DC0]  }
0x7a: {  	v63 =	vld [tilespmem:$0x7DD0]  }
0x7b: {  	v15 =	vld [tilespmem:$0x7DE0]  }
0x7c: {  	s20 =	simm.s32 $0x0;
	v16 =	vld [tilespmem:$0x7DF0]  }
0x7d: {  	v0 =	vld [tilespmem:s20+$0x7EE0]  }
0x7e: {  	v1 =	vmax.bf16 v1, v3;
	v3 =	vmax.bf16 v2, v4;
	v2 =	vld [tilespmem:s20+$0x7EC0]  }
0x7f: {  	v4 =	vmax.bf16 v1, v5;
	v3 =	vmax.bf16 v3, v6;
	v1 =	vld [tilespmem:s20+$0x7EA0]  }
0x80: {  	v4 =	vmax.bf16 v4, v7;
	v5 =	vmax.bf16 v3, v8;
	v3 =	vld [tilespmem:s20+$0x7E80]  }
0x81: {  	v6 =	vmax.bf16 v4, v9;
	v5 =	vmax.bf16 v5, v10;
	v4 =	vld [tilespmem:s20+$0x7E60]  }
0x82: {  	v6 =	vmax.bf16 v6, v11;
	v7 =	vmax.bf16 v5, v61;
	v5 =	vld [tilespmem:s20+$0x7E40]  }
0x83: {  	v8 =	vmax.bf16 v6, v62;
	v9 =	vmax.bf16 v7, v63;
	v6 =	vld [tilespmem:s20+$0x7E20]  }
0x84: {  	s19 =	sadd.s32 $0x1, s19;
	s21 =	simm.s32 $0x400;
	v7 =	vmax.bf16 v8, v15;
	v8 =	vmax.bf16 v9, v16;
	v9 =	vld [tilespmem:s20+$0x7E00]  }
.LBB2_7:
0x85: {  	p0 =	sne.s32 s21, $0x5C00;
	v10 =	vld [tilespmem:s20+$0x7E10]  }
0x86: {  	v11 =	vld [tilespmem:s20+$0x7E30]  }
0x87: {  	v12 =	vld [tilespmem:s20+$0x7E50]  }
0x88: {  	v13 =	vld [tilespmem:s20+$0x7E70]  }
0x89: {  	v14 =	vld [tilespmem:s20+$0x7E90]  }
0x8a: {  	v7 =	vmax.bf16 v7, v9;
	v8 =	vmax.bf16 v8, v10;
	v9 =	vld [tilespmem:s20+$0x7EB0]  }
0x8b: {  	v6 =	vmax.bf16 v7, v6;
	v7 =	vmax.bf16 v8, v11;
	v8 =	vld [tilespmem:s20+$0x7ED0]  }
0x8c: {  	v5 =	vmax.bf16 v6, v5;
	v6 =	vmax.bf16 v7, v12;
	v10 =	vld [tilespmem:s20+$0x7EF0];
	s20 =	sshra.s32 s21, $0x2  }
0x8d: {  	v4 =	vmax.bf16 v5, v4;
	v11 =	vld [tilespmem:s20+$0x7EE0];
	v5 =	vmax.bf16 v6, v13  }
0x8e: {  	v3 =	vmax.bf16 v4, v3;
	v12 =	vld [tilespmem:s20+$0x7EC0];
	v4 =	vmax.bf16 v5, v14  }
0x8f: {  	v5 =	vmax.bf16 v3, v1;
	v1 =	vld [tilespmem:s20+$0x7EA0];
	v4 =	vmax.bf16 v4, v9  }
.Ltmp2:
0x90: {  	v2 =	vmax.bf16 v5, v2;
	v3 =	vld [tilespmem:s20+$0x7E80];
	v5 =	vmax.bf16 v4, v8;
	(pc) =	sbr.rel @p0 .LBB2_7-.Ltmp2, $4  }
0x91: {  	v7 =	vmax.bf16 v2, v0;
	v4 =	vld [tilespmem:s20+$0x7E60];
	v8 =	vmax.bf16 v5, v10  }
0x92: {  	v5 =	vld [tilespmem:s20+$0x7E40];
	v0 =	vmov v11  }
0x93: {  	v6 =	vld [tilespmem:s20+$0x7E20];
	v2 =	vmov v12  }
0x94: {  	s21 =	sadd.s32 $0x400, s21;
	v9 =	vld [tilespmem:s20+$0x7E00]  }
0x95: {  	_ = 	snop  }
0x96: {  	v10 =	vld [tilespmem:s20+$0x7E10]  }
0x97: {  	v11 =	vld [tilespmem:s20+$0x7E30]  }
0x98: {  	v12 =	vld [tilespmem:s20+$0x7E50]  }
0x99: {  	v13 =	vld [tilespmem:s20+$0x7E70];
	v7 =	vmax.bf16 v7, v9  }
0x9a: {  	v14 =	vld [tilespmem:s20+$0x7E90];
	v6 =	vmax.bf16 v7, v6  }
0x9b: {  	v52 =	vld [tilespmem:s20+$0x7EB0];
	v8 =	vmax.bf16 v8, v10;
	v5 =	vmax.bf16 v6, v5  }
0x9c: {  	v54 =	vld [tilespmem:s20+$0x7ED0];
	v53 =	vmax.bf16 v8, v11;
	v4 =	vmax.bf16 v5, v4  }
0x9d: {  	v56 =	vld [tilespmem:s20+$0x7EF0];
	v55 =	vmax.bf16 v53, v12;
	v3 =	vmax.bf16 v4, v3  }
0x9e: {  	v57 =	vmax.bf16 v55, v13;
	v1 =	vmax.bf16 v3, v1  }
0x9f: {  	v58 =	vmax.bf16 v57, v14;
	v1 =	vmax.bf16 v1, v2  }
0xa0: {  	s18 =	sshll.u32 s18, $0x6;
	p0 =	sne.s32 s19, $0x40;
	v59 =	vmax.bf16 v58, v52;
	v0 =	vmax.bf16 v1, v0  }
.Ltmp3:
0xa1: {  	s18 =	sand.u32 $0x3FFFFFC0, s18;
	v60 =	vmax.bf16 v59, v54;
	v62 =	vunpack.i.l.bf16.f32 v0;
	(pc) =	sbr.rel @p0 .LBB2_4-.Ltmp3, $4  }
0xa2: {  	v61 =	vmax.bf16 v60, v56;
	v0 =	vunpack.i.u.bf16.f32 v0;
	[tilespmem:s18+$0x9600] =	vst v62  }
0xa3: {  	v63 =	vunpack.i.l.bf16.f32 v61;
	[tilespmem:s18+$0x9620] =	vst v0  }
0xa4: {  	v1 =	vunpack.i.u.bf16.f32 v61;
	[tilespmem:s18+$0x9610] =	vst v63  }
0xa5: {  	[tilespmem:s18+$0x9630] =	vst v1  }
0xa6: {  	s17 =	sadd.s32 $0x1, s17  }
0xa7: {  	p0 =	sne.s32 s17, s6  }
.Ltmp4:
0xa8: {  	_ = 	snop;
	(pc) =	sbr.rel @p0 .LBB2_1-.Ltmp4, $4  }
0xa9: {  	[hbm4b:s5+s2] =	stream.linear.scatter [tilespmem:s16], [sflag:$0x3], $0x2000, $0x38;
	[tilespmem:$0xB600] =	vst v63  }
0xaa: {  	_ =	swait.ge [sflag:s7], $0x2000  }
0xab: {  	[sflag:s7] =	ssyncset.done $0x0  }
0xac: {  	[sflag:s7] =	ssyncadd.s32 $0xFFFFE000  }
0xad: {  	_ =	sfence.sel $0x180000  }
0xae: {  	[bflag:$0x0] =	sbarrier.arrive $0xFFFF  }
0xaf: {  	p0 =	sne.s32 s0, $0x0;
	_ =	strace $0x90000047  }
0xb0: {  	s0 =	sadd.s32 @!p0 $0x100000, s1;
	[bflag:$0x2] =	sbarrier.arrive $0xFFFF  }
0xb1: {  	[sflag:s0] =	ssyncadd.tile.s32 @!p0 $0x1;
	_ =	shalt  }
.Lfunc_end2:
_tile_overlayer_lowered:
.L_overlay_start_2:
0xb2: {  	(tag) =	ssettag $0x2  }
0xb3: {  	s0 =	rddreg [dreg:$0x0];
	s2 =	stileid.u32  }
0xb4: {  	s1 =	rddreg [dreg:$0x1];
	p0 =	sne.s32 s2, $0x0  }
0xb5: {  	s3 =	rddreg [dreg:$0x2];
	[bflag:$0x3] =	sbarrier.arrive $0xFFFF;
	s2 =	simm.s32 @!p0 $0x1C03  }
0xb6: {  	[timem:s3], [sflag:s2] =	dma.local @!p0 [hbm:s0], s1  }
0xb7: {  	s0 =	simm.s32 @!p0 $0x3  }
0xb8: {  	_ =	swait.ge @!p0 [sflag:s0], s1  }
0xb9: {  	s1 =	ssub.s32 @!p0 $0x0, s1;
	[sflag:s0] =	ssyncset.done @!p0 $0x0  }
0xba: {  	[sflag:s0] =	ssyncadd.s32 @!p0 s1  }
0xbb: {  	[bflag:$0x3] =	sbarrier.arrive $0xFFFF  }
0xbc: {  	_ =	shalt  }

</sc_bundles>
